<compile_context>
chip_gen: v7x
topology: tpu7x:2x2x1
jax: 0.10.2.dev20260603
libtpu: 0.0.44.dev20260713+nightly
codegen_flags: <defaults>
</compile_context>

<pallas_src>
import functools

import jax
import jax.numpy as jnp
from jax import lax
from jax.experimental import pallas as pl
from jax.experimental.pallas import tpu as pltpu
from jax.experimental.pallas import tpu_sc as plsc

N = 10000
E = 320000
D = 128

NC = 2
NS = 16
NW = NC * NS
EPW = E // NW
CH = 80
NCH = EPW // CH
RB = 1000

_mesh = plsc.VectorSubcoreMesh(core_axis_name="c", subcore_axis_name="s")


def _deg_body(dst_hbm, ones_hbm, zeros_hbm, out_hbm, ones_v, idx_v, acc_sh):
    c = lax.axis_index("c")
    s = lax.axis_index("s")
    w = c * NS + s
    @pl.when(s < N // RB)
    def _():
        pltpu.sync_copy(zeros_hbm, acc_sh.at[pl.ds(s * RB, RB)])
    pltpu.sync_copy(ones_hbm, ones_v)
    plsc.subcore_barrier()

    def chunk(j, carry):
        off = w * EPW + j * CH
        pltpu.sync_copy(dst_hbm.at[pl.ds(off, CH)], idx_v)
        pltpu.sync_copy(ones_v, acc_sh.at[idx_v], add=True)
        return carry

    lax.fori_loop(0, NCH, chunk, 0)
    plsc.subcore_barrier()

    @pl.when(s < N // RB)
    def _():
        pltpu.sync_copy(acc_sh.at[pl.ds(s * RB, RB)],
                        out_hbm.at[c, pl.ds(s * RB, RB)])


_deg_call = pl.kernel(
    _deg_body,
    out_type=jax.ShapeDtypeStruct((NC, N, D), jnp.float32),
    mesh=_mesh,
    scratch_types=[
        pltpu.VMEM((CH, D), jnp.float32),
        pltpu.VMEM((CH,), jnp.int32),
        pltpu.VMEM_SHARED((N, D), jnp.float32),
    ],
)


NB = 4
NG = NCH // NB


def _spmm_body(xws_hbm, src_hbm, dst_hbm, zeros_hbm, out_hbm, *refs):
    idx_s = refs[0:NB]
    idx_d = refs[NB:2 * NB]
    rows = refs[2 * NB:3 * NB]
    isem = refs[3 * NB]
    gsem = refs[3 * NB + 1:3 * NB + 1 + NB]
    ssem = refs[3 * NB + 1 + NB:3 * NB + 1 + 2 * NB]
    acc_sh = refs[3 * NB + 1 + 2 * NB]
    c = lax.axis_index("c")
    s = lax.axis_index("s")
    w = c * NS + s

    @pl.when(s < N // RB)
    def _():
        pltpu.sync_copy(zeros_hbm, acc_sh.at[pl.ds(s * RB, RB)])

    plsc.subcore_barrier()

    def group(g, carry):
        goff = w * EPW + g * (NB * CH)
        di = []
        for b in range(NB):
            off = goff + b * CH
            d1 = pltpu.async_copy(src_hbm.at[pl.ds(off, CH)], idx_s[b], isem)
            d2 = pltpu.async_copy(dst_hbm.at[pl.ds(off, CH)], idx_d[b], isem)
            di.append((d1, d2))
        gd = []
        for b in range(NB):
            di[b][0].wait()
            di[b][1].wait()
            gd.append(pltpu.async_copy(xws_hbm.at[idx_s[b]], rows[b], gsem[b]))
        sd = []
        for b in range(NB):
            gd[b].wait()
            sd.append(pltpu.async_copy(rows[b], acc_sh.at[idx_d[b]],
                                       ssem[b], add=True))
        for d in sd:
            d.wait()
        return carry

    lax.fori_loop(0, NG, group, 0)
    for r in range(NCH % NB):
        off = w * EPW + (NG * NB + r) * CH
        pltpu.sync_copy(src_hbm.at[pl.ds(off, CH)], idx_s[0])
        pltpu.sync_copy(dst_hbm.at[pl.ds(off, CH)], idx_d[0])
        pltpu.async_copy(xws_hbm.at[idx_s[0]], rows[0], gsem[0]).wait()
        pltpu.sync_copy(rows[0], acc_sh.at[idx_d[0]], add=True)
    plsc.subcore_barrier()

    @pl.when(s < N // RB)
    def _():
        pltpu.sync_copy(acc_sh.at[pl.ds(s * RB, RB)],
                        out_hbm.at[c, pl.ds(s * RB, RB)])


_spmm_call = pl.kernel(
    _spmm_body,
    out_type=jax.ShapeDtypeStruct((NC, N, D), jnp.float32),
    mesh=_mesh,
    scratch_types=(
        [pltpu.VMEM((CH,), jnp.int32) for _ in range(2 * NB)]
        + [pltpu.VMEM((CH, D), jnp.float32) for _ in range(NB)]
        + [pltpu.SemaphoreType.DMA for _ in range(2 * NB + 1)]
        + [pltpu.VMEM_SHARED((N, D), jnp.float32)]
    ),
)


_R = 1000


def _dis(d0_ref, d1_ref):
    deg = d0_ref[:, 0:1] + d1_ref[:, 0:1] + 1.0
    return lax.rsqrt(deg)


def _pre_body(x_ref, w_ref, d0_ref, d1_ref, o_ref):
    dis = _dis(d0_ref, d1_ref)
    xw = jnp.dot(x_ref[...], w_ref[...], preferred_element_type=jnp.float32)
    o_ref[...] = dis * xw


def _mid_body(a0_ref, a1_ref, xws_ref, d0_ref, d1_ref, b_ref, w_ref, o_ref):
    dis = _dis(d0_ref, d1_ref)
    pre = dis * (a0_ref[...] + a1_ref[...] + xws_ref[...]) + b_ref[...]
    h = jnp.maximum(pre, 0.0)
    o_ref[...] = dis * jnp.dot(h, w_ref[...],
                               preferred_element_type=jnp.float32)


def _post_body(a0_ref, a1_ref, xws_ref, d0_ref, d1_ref, b_ref, o_ref):
    dis = _dis(d0_ref, d1_ref)
    o_ref[...] = dis * (a0_ref[...] + a1_ref[...] + xws_ref[...]) + b_ref[...]


_row_spec = pl.BlockSpec((_R, D), lambda i: (i, 0))
_deg_spec = pl.BlockSpec((_R, D), lambda i: (i, 0))
_w_spec = pl.BlockSpec((D, D), lambda i: (0, 0))
_b_spec = pl.BlockSpec((1, D), lambda i: (0, 0))
_grid = (N // _R,)

_pre_call = pl.pallas_call(
    _pre_body,
    grid=_grid,
    in_specs=[_row_spec, _w_spec, _deg_spec, _deg_spec],
    out_specs=_row_spec,
    out_shape=jax.ShapeDtypeStruct((N, D), jnp.float32),
)

_mid_call = pl.pallas_call(
    _mid_body,
    grid=_grid,
    in_specs=[_row_spec, _row_spec, _row_spec, _deg_spec, _deg_spec,
              _b_spec, _w_spec],
    out_specs=_row_spec,
    out_shape=jax.ShapeDtypeStruct((N, D), jnp.float32),
)

_post_call = pl.pallas_call(
    _post_body,
    grid=_grid,
    in_specs=[_row_spec, _row_spec, _row_spec, _deg_spec, _deg_spec, _b_spec],
    out_specs=_row_spec,
    out_shape=jax.ShapeDtypeStruct((N, D), jnp.float32),
)


def kernel(x, edge_index, W1, b1, W2, b2):
    ei = edge_index.astype(jnp.int32)
    src, dst = ei[0], ei[1]
    onesD = jnp.ones((CH, D), jnp.float32)
    zerosD = jnp.zeros((RB, D), jnp.float32)
    b1r = b1.reshape(1, D)
    b2r = b2.reshape(1, D)

    degp = _deg_call(dst, onesD, zerosD)
    d0, d1 = degp[0], degp[1]

    xw1s = _pre_call(x, W1, d0, d1)
    acc1 = _spmm_call(xw1s, src, dst, zerosD)
    xw2s = _mid_call(acc1[0], acc1[1], xw1s, d0, d1, b1r, W2)
    acc2 = _spmm_call(xw2s, src, dst, zerosD)
    return _post_call(acc2[0], acc2[1], xw2s, d0, d1, b2r)

# --- scband reference (transcript-rebuilt; emitter-appended) ---
"""Pipeline reference for scband-model-30477087933020 (READ-ONLY COPY).

The authoritative reference and input builder live on the scoring server;
editing this copy changes nothing except your own understanding.
"""

import jax, jax.numpy as jnp
import numpy as np

N_NODES = 10000
N_EDGES = 320000
D = 128


def gcn_layer(x, edge_index, W, b):
    N = x.shape[0]
    # add self loops
    loops = jnp.arange(N, dtype=edge_index.dtype)
    src = jnp.concatenate([edge_index[0], loops])
    dst = jnp.concatenate([edge_index[1], loops])
    # symmetric normalization D^{-1/2} (A+I) D^{-1/2}
    deg = jax.ops.segment_sum(jnp.ones_like(dst, dtype=x.dtype), dst, num_segments=N)
    deg_inv_sqrt = jnp.where(deg > 0, jax.lax.rsqrt(deg), 0.0)
    norm = deg_inv_sqrt[src] * deg_inv_sqrt[dst]
    # transform then propagate (PyG GCNConv semantics)
    xw = x @ W
    msg = jnp.take(xw, src, axis=0) * norm[:, None]
    out = jax.ops.segment_sum(msg, dst, num_segments=N)
    return out + b


def setup_inputs(seed: int = 0) -> dict:
    key = jax.random.key(seed)
    k1, k2, k3, k4, k5, k6 = jax.random.split(key, 6)
    x = jax.random.normal(k1, (N_NODES, D), dtype=jnp.float32)
    edge_index = jax.random.randint(k2, (2, N_EDGES), 0, N_NODES, dtype=jnp.int64)
    scale = 1.0 / np.sqrt(D)
    W1 = jax.random.uniform(k3, (D, D), dtype=jnp.float32, minval=-scale, maxval=scale)
    b1 = jnp.zeros((D,), dtype=jnp.float32)
    W2 = jax.random.uniform(k4, (D, D), dtype=jnp.float32, minval=-scale, maxval=scale)
    b2 = jnp.zeros((D,), dtype=jnp.float32)
    return {"x": x, "edge_index": edge_index, "W1": W1, "b1": b1, "W2": W2, "b2": b2}


def reference(x, edge_index, W1, b1, W2, b2):
    # layer 1 (dropout is identity in eval mode)
    h = gcn_layer(x, edge_index, W1, b1)
    h = jax.nn.relu(h)
    # layer 2 (final layer: no activation)
    out = gcn_layer(h, edge_index, W2, b2)
    return out

if __name__ == "__main__":
    import jax
    _d = setup_inputs()
    print(jax.jit(kernel)(*tuple(_d.values())))

</pallas_src>

<mosaic_0001>
#map = affine_map<(d0, d1) -> (0)>
#map1 = affine_map<(d0, d1) -> (0, 0)>
#map2 = affine_map<(d0, d1) -> (0, 0, 0)>
module attributes {stable_mosaic.version = 14 : i64} {
  func.func @_deg_body(%arg0: i32, %arg1: i32, %arg2: memref<320000xi32, #tpu.memory_space<hbm>>, %arg3: memref<80x128xf32, #tpu.memory_space<hbm>>, %arg4: memref<1000x128xf32, #tpu.memory_space<hbm>>, %arg5: memref<2x10000x128xf32, #tpu.memory_space<hbm>>, %arg6: memref<80x128xf32, #tpu.memory_space<vmem>>, %arg7: memref<80xi32, #tpu.memory_space<vmem>>, %arg8: memref<10000x128xf32, #tpu.memory_space<vmem_shared>>) attributes {dimension_semantics = [#tpu.dimension_semantics<core_parallel>, #tpu.dimension_semantics<subcore_parallel>], iteration_bounds = array<i64: 2, 16>, scalar_prefetch = 0 : i64, scratch_operands = 3 : i64, tpu.core_type = #tpu.core_type<sc_vector_subcore>, window_params = [{transform_indices = #map}, {transform_indices = #map1}, {transform_indices = #map1}, {transform_indices = #map2}]} {
    %mul3A = arith.constant 16 : i32
    %mul3A_0 = arith.muli %arg0, %mul3A : i32
    %add3A = arith.addi %mul3A_0, %arg1 : i32
    %lt3A = arith.constant 10 : i32
    %lt3A_1 = arith.cmpi slt, %arg1, %lt3A : i32
    %convert_element_type3A = arith.extui %lt3A_1 : i1 to i32
    %cond3A = arith.constant 0 : i32
    %cond3A_2 = arith.cmpi ne, %convert_element_type3A, %cond3A : i32
    scf.if %cond3A_2 {
      %mul3A_14 = arith.constant 1000 : i32
      %mul3A_15 = arith.muli %arg1, %mul3A_14 : i32
      "tpu.region"() ({
        %run_scoped3A = tpu.sem_alloc : memref<!tpu.dma_semaphore, #tpu.memory_space<semaphore_mem>>
        %dma_start3A = arith.constant 0 : i32
        %dma_start3A_16 = tpu.memref_slice %arg8[%mul3A_15, %dma_start3A] : memref<10000x128xf32, #tpu.memory_space<vmem_shared>> -> memref<1000x128xf32, #tpu.memory_space<vmem_shared>>
        tpu.enqueue_dma source(%arg4 : memref<1000x128xf32, #tpu.memory_space<hbm>>) target(%dma_start3A_16 : memref<1000x128xf32, #tpu.memory_space<vmem_shared>>) target_semaphore(%run_scoped3A : memref<!tpu.dma_semaphore, #tpu.memory_space<semaphore_mem>>)
        %dma_wait3A = arith.constant 0 : i32
        %dma_wait3A_17 = tpu.memref_slice %arg8[%mul3A_15, %dma_wait3A] : memref<10000x128xf32, #tpu.memory_space<vmem_shared>> -> memref<1000x128xf32, #tpu.memory_space<vmem_shared>>
        tpu.wait_dma2 semaphore(%run_scoped3A : memref<!tpu.dma_semaphore, #tpu.memory_space<semaphore_mem>>) src(%arg4 : memref<1000x128xf32, #tpu.memory_space<hbm>>) dst(%dma_wait3A_17 : memref<1000x128xf32, #tpu.memory_space<vmem_shared>>)
        tpu.yield
      }) : () -> ()
    } else {
    }
    "tpu.region"() ({
      %run_scoped3A = tpu.sem_alloc : memref<!tpu.dma_semaphore, #tpu.memory_space<semaphore_mem>>
      tpu.enqueue_dma source(%arg3 : memref<80x128xf32, #tpu.memory_space<hbm>>) target(%arg6 : memref<80x128xf32, #tpu.memory_space<vmem>>) target_semaphore(%run_scoped3A : memref<!tpu.dma_semaphore, #tpu.memory_space<semaphore_mem>>)
      tpu.wait_dma2 semaphore(%run_scoped3A : memref<!tpu.dma_semaphore, #tpu.memory_space<semaphore_mem>>) src(%arg3 : memref<80x128xf32, #tpu.memory_space<hbm>>) dst(%arg6 : memref<80x128xf32, #tpu.memory_space<vmem>>)
      tpu.yield
    }) : () -> ()
    %barrier3A = arith.constant 0 : index
    tpu.barrier barrier_id(%barrier3A)
    %scan3A = arith.constant 0 : i32
    %scan3A_3 = arith.constant 0 : i32
    %scan3A_4 = arith.constant 125 : i32
    %scan3A_5 = arith.addi %scan3A_3, %scan3A_4 : i32
    %scan3A_6 = arith.constant 1 : i32
    scf.for %scan3A_14 = %scan3A_3 to %scan3A_5 step %scan3A_6  : i32 {
      %mul3A_15 = arith.constant 10000 : i32
      %mul3A_16 = arith.muli %add3A, %mul3A_15 : i32
      %mul3A_17 = arith.constant 80 : i32
      %mul3A_18 = arith.muli %scan3A_14, %mul3A_17 : i32
      %add3A_19 = arith.addi %mul3A_16, %mul3A_18 : i32
      "tpu.region"() ({
        %run_scoped3A = tpu.sem_alloc : memref<!tpu.dma_semaphore, #tpu.memory_space<semaphore_mem>>
        %dma_start3A = tpu.memref_slice %arg2[%add3A_19] : memref<320000xi32, #tpu.memory_space<hbm>> -> memref<80xi32, #tpu.memory_space<hbm>>
        %dma_start3A_20 = tpu.memref_slice %arg2[%add3A_19] : memref<320000xi32, #tpu.memory_space<hbm>> -> memref<80xi32, #tpu.memory_space<hbm>>
        tpu.enqueue_dma source(%dma_start3A_20 : memref<80xi32, #tpu.memory_space<hbm>>) target(%arg7 : memref<80xi32, #tpu.memory_space<vmem>>) target_semaphore(%run_scoped3A : memref<!tpu.dma_semaphore, #tpu.memory_space<semaphore_mem>>)
        %dma_wait3A = tpu.memref_slice %arg2[%add3A_19] : memref<320000xi32, #tpu.memory_space<hbm>> -> memref<80xi32, #tpu.memory_space<hbm>>
        %dma_wait3A_21 = tpu.memref_slice %arg2[%add3A_19] : memref<320000xi32, #tpu.memory_space<hbm>> -> memref<80xi32, #tpu.memory_space<hbm>>
        tpu.wait_dma2 semaphore(%run_scoped3A : memref<!tpu.dma_semaphore, #tpu.memory_space<semaphore_mem>>) src(%dma_wait3A_21 : memref<80xi32, #tpu.memory_space<hbm>>) dst(%arg7 : memref<80xi32, #tpu.memory_space<vmem>>)
        tpu.yield
      }) : () -> ()
      "tpu.region"() ({
        %run_scoped3A = tpu.sem_alloc : memref<!tpu.dma_semaphore, #tpu.memory_space<semaphore_mem>>
        %dma_start3A = arith.constant 0 : i32
        %dma_start3A_20 = arith.constant 0 : i32
        %dma_start3A_21 = tpu.memref_slice %arg8[%dma_start3A, %dma_start3A_20] : memref<10000x128xf32, #tpu.memory_space<vmem_shared>> -> memref<10000x128xf32, #tpu.memory_space<vmem_shared>>
        tpu.enqueue_indirect_dma source(%arg6 : memref<80x128xf32, #tpu.memory_space<vmem>>) target(%dma_start3A_21 : memref<10000x128xf32, #tpu.memory_space<vmem_shared>>) offsets(%arg7 : memref<80xi32, #tpu.memory_space<vmem>>) semaphore(%run_scoped3A : memref<!tpu.dma_semaphore, #tpu.memory_space<semaphore_mem>>) {add = true}
        %dma_wait3A = arith.constant 0 : i32
        %dma_wait3A_22 = arith.constant 0 : i32
        %dma_wait3A_23 = tpu.memref_slice %arg8[%dma_wait3A, %dma_wait3A_22] : memref<10000x128xf32, #tpu.memory_space<vmem_shared>> -> memref<10000x128xf32, #tpu.memory_space<vmem_shared>>
        tpu.wait_indirect_dma semaphore(%run_scoped3A : memref<!tpu.dma_semaphore, #tpu.memory_space<semaphore_mem>>) src(%arg6 : memref<80x128xf32, #tpu.memory_space<vmem>>) dst(%dma_wait3A_23 : memref<10000x128xf32, #tpu.memory_space<vmem_shared>>)
        tpu.yield
      }) : () -> ()
    }
    %scan3A_7 = arith.constant 125 : i32
    %barrier3A_8 = arith.constant 0 : index
    tpu.barrier barrier_id(%barrier3A_8)
    %lt3A_9 = arith.constant 10 : i32
    %lt3A_10 = arith.cmpi slt, %arg1, %lt3A_9 : i32
    %convert_element_type3A_11 = arith.extui %lt3A_10 : i1 to i32
    %cond3A_12 = arith.constant 0 : i32
    %cond3A_13 = arith.cmpi ne, %convert_element_type3A_11, %cond3A_12 : i32
    scf.if %cond3A_13 {
      %mul3A_14 = arith.constant 1000 : i32
      %mul3A_15 = arith.muli %arg1, %mul3A_14 : i32
      %mul3A_16 = arith.constant 1000 : i32
      %mul3A_17 = arith.muli %arg1, %mul3A_16 : i32
      "tpu.region"() ({
        %run_scoped3A = tpu.sem_alloc : memref<!tpu.dma_semaphore, #tpu.memory_space<semaphore_mem>>
        %dma_start3A = arith.constant 0 : i32
        %dma_start3A_18 = tpu.memref_slice %arg5[%arg0, %mul3A_17, %dma_start3A] : memref<2x10000x128xf32, #tpu.memory_space<hbm>> -> memref<1x1000x128xf32, #tpu.memory_space<hbm>>
        %dma_start3A_19 = tpu.memref_squeeze %dma_start3A_18 : memref<1x1000x128xf32, #tpu.memory_space<hbm>> -> memref<1000x128xf32, #tpu.memory_space<hbm>>
        %dma_start3A_20 = arith.constant 0 : i32
        %dma_start3A_21 = tpu.memref_slice %arg8[%mul3A_15, %dma_start3A_20] : memref<10000x128xf32, #tpu.memory_space<vmem_shared>> -> memref<1000x128xf32, #tpu.memory_space<vmem_shared>>
        tpu.enqueue_dma source(%dma_start3A_21 : memref<1000x128xf32, #tpu.memory_space<vmem_shared>>) target(%dma_start3A_19 : memref<1000x128xf32, #tpu.memory_space<hbm>>) target_semaphore(%run_scoped3A : memref<!tpu.dma_semaphore, #tpu.memory_space<semaphore_mem>>)
        %dma_wait3A = arith.constant 0 : i32
        %dma_wait3A_22 = tpu.memref_slice %arg5[%arg0, %mul3A_17, %dma_wait3A] : memref<2x10000x128xf32, #tpu.memory_space<hbm>> -> memref<1x1000x128xf32, #tpu.memory_space<hbm>>
        %dma_wait3A_23 = tpu.memref_squeeze %dma_wait3A_22 : memref<1x1000x128xf32, #tpu.memory_space<hbm>> -> memref<1000x128xf32, #tpu.memory_space<hbm>>
        %dma_wait3A_24 = arith.constant 0 : i32
        %dma_wait3A_25 = tpu.memref_slice %arg8[%mul3A_15, %dma_wait3A_24] : memref<10000x128xf32, #tpu.memory_space<vmem_shared>> -> memref<1000x128xf32, #tpu.memory_space<vmem_shared>>
        tpu.wait_dma2 semaphore(%run_scoped3A : memref<!tpu.dma_semaphore, #tpu.memory_space<semaphore_mem>>) src(%dma_wait3A_25 : memref<1000x128xf32, #tpu.memory_space<vmem_shared>>) dst(%dma_wait3A_23 : memref<1000x128xf32, #tpu.memory_space<hbm>>)
        tpu.yield
      }) : () -> ()
    } else {
    }
    return
  }
}

#map = affine_map<(d0, d1) -> (0, 0)>
#map1 = affine_map<(d0, d1) -> (0)>
#map2 = affine_map<(d0, d1) -> (0, 0, 0)>
module attributes {stable_mosaic.version = 14 : i64} {
  func.func @_spmm_body(%arg0: i32, %arg1: i32, %arg2: memref<10000x128xf32, #tpu.memory_space<hbm>>, %arg3: memref<320000xi32, #tpu.memory_space<hbm>>, %arg4: memref<320000xi32, #tpu.memory_space<hbm>>, %arg5: memref<1000x128xf32, #tpu.memory_space<hbm>>, %arg6: memref<2x10000x128xf32, #tpu.memory_space<hbm>>, %arg7: memref<80xi32, #tpu.memory_space<vmem>>, %arg8: memref<80xi32, #tpu.memory_space<vmem>>, %arg9: memref<80xi32, #tpu.memory_space<vmem>>, %arg10: memref<80xi32, #tpu.memory_space<vmem>>, %arg11: memref<80xi32, #tpu.memory_space<vmem>>, %arg12: memref<80xi32, #tpu.memory_space<vmem>>, %arg13: memref<80xi32, #tpu.memory_space<vmem>>, %arg14: memref<80xi32, #tpu.memory_space<vmem>>, %arg15: memref<80x128xf32, #tpu.memory_space<vmem>>, %arg16: memref<80x128xf32, #tpu.memory_space<vmem>>, %arg17: memref<80x128xf32, #tpu.memory_space<vmem>>, %arg18: memref<80x128xf32, #tpu.memory_space<vmem>>, %arg19: memref<!tpu.dma_semaphore, #tpu.memory_space<semaphore_mem>>, %arg20: memref<!tpu.dma_semaphore, #tpu.memory_space<semaphore_mem>>, %arg21: memref<!tpu.dma_semaphore, #tpu.memory_space<semaphore_mem>>, %arg22: memref<!tpu.dma_semaphore, #tpu.memory_space<semaphore_mem>>, %arg23: memref<!tpu.dma_semaphore, #tpu.memory_space<semaphore_mem>>, %arg24: memref<!tpu.dma_semaphore, #tpu.memory_space<semaphore_mem>>, %arg25: memref<!tpu.dma_semaphore, #tpu.memory_space<semaphore_mem>>, %arg26: memref<!tpu.dma_semaphore, #tpu.memory_space<semaphore_mem>>, %arg27: memref<!tpu.dma_semaphore, #tpu.memory_space<semaphore_mem>>, %arg28: memref<10000x128xf32, #tpu.memory_space<vmem_shared>>) attributes {dimension_semantics = [#tpu.dimension_semantics<core_parallel>, #tpu.dimension_semantics<subcore_parallel>], iteration_bounds = array<i64: 2, 16>, scalar_prefetch = 0 : i64, scratch_operands = 22 : i64, tpu.core_type = #tpu.core_type<sc_vector_subcore>, window_params = [{transform_indices = #map}, {transform_indices = #map1}, {transform_indices = #map1}, {transform_indices = #map}, {transform_indices = #map2}]} {
    %mul3A = arith.constant 16 : i32
    %mul3A_0 = arith.muli %arg0, %mul3A : i32
    %add3A = arith.addi %mul3A_0, %arg1 : i32
    %lt3A = arith.constant 10 : i32
    %lt3A_1 = arith.cmpi slt, %arg1, %lt3A : i32
    %convert_element_type3A = arith.extui %lt3A_1 : i1 to i32
    %cond3A = arith.constant 0 : i32
    %cond3A_2 = arith.cmpi ne, %convert_element_type3A, %cond3A : i32
    scf.if %cond3A_2 {
      %mul3A_22 = arith.constant 1000 : i32
      %mul3A_23 = arith.muli %arg1, %mul3A_22 : i32
      "tpu.region"() ({
        %run_scoped3A = tpu.sem_alloc : memref<!tpu.dma_semaphore, #tpu.memory_space<semaphore_mem>>
        %dma_start3A_24 = arith.constant 0 : i32
        %dma_start3A_25 = tpu.memref_slice %arg28[%mul3A_23, %dma_start3A_24] : memref<10000x128xf32, #tpu.memory_space<vmem_shared>> -> memref<1000x128xf32, #tpu.memory_space<vmem_shared>>
        tpu.enqueue_dma source(%arg5 : memref<1000x128xf32, #tpu.memory_space<hbm>>) target(%dma_start3A_25 : memref<1000x128xf32, #tpu.memory_space<vmem_shared>>) target_semaphore(%run_scoped3A : memref<!tpu.dma_semaphore, #tpu.memory_space<semaphore_mem>>)
        %dma_wait3A_26 = arith.constant 0 : i32
        %dma_wait3A_27 = tpu.memref_slice %arg28[%mul3A_23, %dma_wait3A_26] : memref<10000x128xf32, #tpu.memory_space<vmem_shared>> -> memref<1000x128xf32, #tpu.memory_space<vmem_shared>>
        tpu.wait_dma2 semaphore(%run_scoped3A : memref<!tpu.dma_semaphore, #tpu.memory_space<semaphore_mem>>) src(%arg5 : memref<1000x128xf32, #tpu.memory_space<hbm>>) dst(%dma_wait3A_27 : memref<1000x128xf32, #tpu.memory_space<vmem_shared>>)
        tpu.yield
      }) : () -> ()
    } else {
    }
    %barrier3A = arith.constant 0 : index
    tpu.barrier barrier_id(%barrier3A)
    %scan3A = arith.constant 0 : i32
    %scan3A_3 = arith.constant 0 : i32
    %scan3A_4 = arith.constant 31 : i32
    %scan3A_5 = arith.addi %scan3A_3, %scan3A_4 : i32
    %scan3A_6 = arith.constant 1 : i32
    scf.for %scan3A_22 = %scan3A_3 to %scan3A_5 step %scan3A_6  : i32 {
      %mul3A_23 = arith.constant 10000 : i32
      %mul3A_24 = arith.muli %add3A, %mul3A_23 : i32
      %mul3A_25 = arith.constant 320 : i32
      %mul3A_26 = arith.muli %scan3A_22, %mul3A_25 : i32
      %add3A_27 = arith.addi %mul3A_24, %mul3A_26 : i32
      %add3A_28 = arith.constant 0 : i32
      %add3A_29 = arith.addi %add3A_27, %add3A_28 : i32
      %dma_start3A_30 = tpu.memref_slice %arg3[%add3A_29] : memref<320000xi32, #tpu.memory_space<hbm>> -> memref<80xi32, #tpu.memory_space<hbm>>
      %dma_start3A_31 = tpu.memref_slice %arg3[%add3A_29] : memref<320000xi32, #tpu.memory_space<hbm>> -> memref<80xi32, #tpu.memory_space<hbm>>
      tpu.enqueue_dma source(%dma_start3A_31 : memref<80xi32, #tpu.memory_space<hbm>>) target(%arg7 : memref<80xi32, #tpu.memory_space<vmem>>) target_semaphore(%arg19 : memref<!tpu.dma_semaphore, #tpu.memory_space<semaphore_mem>>)
      %dma_start3A_32 = tpu.memref_slice %arg4[%add3A_29] : memref<320000xi32, #tpu.memory_space<hbm>> -> memref<80xi32, #tpu.memory_space<hbm>>
      %dma_start3A_33 = tpu.memref_slice %arg4[%add3A_29] : memref<320000xi32, #tpu.memory_space<hbm>> -> memref<80xi32, #tpu.memory_space<hbm>>
      tpu.enqueue_dma source(%dma_start3A_33 : memref<80xi32, #tpu.memory_space<hbm>>) target(%arg11 : memref<80xi32, #tpu.memory_space<vmem>>) target_semaphore(%arg19 : memref<!tpu.dma_semaphore, #tpu.memory_space<semaphore_mem>>)
      %add3A_34 = arith.constant 80 : i32
      %add3A_35 = arith.addi %add3A_27, %add3A_34 : i32
      %dma_start3A_36 = tpu.memref_slice %arg3[%add3A_35] : memref<320000xi32, #tpu.memory_space<hbm>> -> memref<80xi32, #tpu.memory_space<hbm>>
      %dma_start3A_37 = tpu.memref_slice %arg3[%add3A_35] : memref<320000xi32, #tpu.memory_space<hbm>> -> memref<80xi32, #tpu.memory_space<hbm>>
      tpu.enqueue_dma source(%dma_start3A_37 : memref<80xi32, #tpu.memory_space<hbm>>) target(%arg8 : memref<80xi32, #tpu.memory_space<vmem>>) target_semaphore(%arg19 : memref<!tpu.dma_semaphore, #tpu.memory_space<semaphore_mem>>)
      %dma_start3A_38 = tpu.memref_slice %arg4[%add3A_35] : memref<320000xi32, #tpu.memory_space<hbm>> -> memref<80xi32, #tpu.memory_space<hbm>>
      %dma_start3A_39 = tpu.memref_slice %arg4[%add3A_35] : memref<320000xi32, #tpu.memory_space<hbm>> -> memref<80xi32, #tpu.memory_space<hbm>>
      tpu.enqueue_dma source(%dma_start3A_39 : memref<80xi32, #tpu.memory_space<hbm>>) target(%arg12 : memref<80xi32, #tpu.memory_space<vmem>>) target_semaphore(%arg19 : memref<!tpu.dma_semaphore, #tpu.memory_space<semaphore_mem>>)
      %add3A_40 = arith.constant 160 : i32
      %add3A_41 = arith.addi %add3A_27, %add3A_40 : i32
      %dma_start3A_42 = tpu.memref_slice %arg3[%add3A_41] : memref<320000xi32, #tpu.memory_space<hbm>> -> memref<80xi32, #tpu.memory_space<hbm>>
      %dma_start3A_43 = tpu.memref_slice %arg3[%add3A_41] : memref<320000xi32, #tpu.memory_space<hbm>> -> memref<80xi32, #tpu.memory_space<hbm>>
      tpu.enqueue_dma source(%dma_start3A_43 : memref<80xi32, #tpu.memory_space<hbm>>) target(%arg9 : memref<80xi32, #tpu.memory_space<vmem>>) target_semaphore(%arg19 : memref<!tpu.dma_semaphore, #tpu.memory_space<semaphore_mem>>)
      %dma_start3A_44 = tpu.memref_slice %arg4[%add3A_41] : memref<320000xi32, #tpu.memory_space<hbm>> -> memref<80xi32, #tpu.memory_space<hbm>>
      %dma_start3A_45 = tpu.memref_slice %arg4[%add3A_41] : memref<320000xi32, #tpu.memory_space<hbm>> -> memref<80xi32, #tpu.memory_space<hbm>>
      tpu.enqueue_dma source(%dma_start3A_45 : memref<80xi32, #tpu.memory_space<hbm>>) target(%arg13 : memref<80xi32, #tpu.memory_space<vmem>>) target_semaphore(%arg19 : memref<!tpu.dma_semaphore, #tpu.memory_space<semaphore_mem>>)
      %add3A_46 = arith.constant 240 : i32
      %add3A_47 = arith.addi %add3A_27, %add3A_46 : i32
      %dma_start3A_48 = tpu.memref_slice %arg3[%add3A_47] : memref<320000xi32, #tpu.memory_space<hbm>> -> memref<80xi32, #tpu.memory_space<hbm>>
      %dma_start3A_49 = tpu.memref_slice %arg3[%add3A_47] : memref<320000xi32, #tpu.memory_space<hbm>> -> memref<80xi32, #tpu.memory_space<hbm>>
      tpu.enqueue_dma source(%dma_start3A_49 : memref<80xi32, #tpu.memory_space<hbm>>) target(%arg10 : memref<80xi32, #tpu.memory_space<vmem>>) target_semaphore(%arg19 : memref<!tpu.dma_semaphore, #tpu.memory_space<semaphore_mem>>)
      %dma_start3A_50 = tpu.memref_slice %arg4[%add3A_47] : memref<320000xi32, #tpu.memory_space<hbm>> -> memref<80xi32, #tpu.memory_space<hbm>>
      %dma_start3A_51 = tpu.memref_slice %arg4[%add3A_47] : memref<320000xi32, #tpu.memory_space<hbm>> -> memref<80xi32, #tpu.memory_space<hbm>>
      tpu.enqueue_dma source(%dma_start3A_51 : memref<80xi32, #tpu.memory_space<hbm>>) target(%arg14 : memref<80xi32, #tpu.memory_space<vmem>>) target_semaphore(%arg19 : memref<!tpu.dma_semaphore, #tpu.memory_space<semaphore_mem>>)
      %dma_wait3A_52 = tpu.memref_slice %arg3[%add3A_29] : memref<320000xi32, #tpu.memory_space<hbm>> -> memref<80xi32, #tpu.memory_space<hbm>>
      %dma_wait3A_53 = tpu.memref_slice %arg3[%add3A_29] : memref<320000xi32, #tpu.memory_space<hbm>> -> memref<80xi32, #tpu.memory_space<hbm>>
      tpu.wait_dma2 semaphore(%arg19 : memref<!tpu.dma_semaphore, #tpu.memory_space<semaphore_mem>>) src(%dma_wait3A_53 : memref<80xi32, #tpu.memory_space<hbm>>) dst(%arg7 : memref<80xi32, #tpu.memory_space<vmem>>)
      %dma_wait3A_54 = tpu.memref_slice %arg4[%add3A_29] : memref<320000xi32, #tpu.memory_space<hbm>> -> memref<80xi32, #tpu.memory_space<hbm>>
      %dma_wait3A_55 = tpu.memref_slice %arg4[%add3A_29] : memref<320000xi32, #tpu.memory_space<hbm>> -> memref<80xi32, #tpu.memory_space<hbm>>
      tpu.wait_dma2 semaphore(%arg19 : memref<!tpu.dma_semaphore, #tpu.memory_space<semaphore_mem>>) src(%dma_wait3A_55 : memref<80xi32, #tpu.memory_space<hbm>>) dst(%arg11 : memref<80xi32, #tpu.memory_space<vmem>>)
      %dma_start3A_56 = arith.constant 0 : i32
      %dma_start3A_57 = arith.constant 0 : i32
      %dma_start3A_58 = tpu.memref_slice %arg2[%dma_start3A_56, %dma_start3A_57] : memref<10000x128xf32, #tpu.memory_space<hbm>> -> memref<10000x128xf32, #tpu.memory_space<hbm>>
      tpu.enqueue_indirect_dma source(%dma_start3A_58 : memref<10000x128xf32, #tpu.memory_space<hbm>>) target(%arg15 : memref<80x128xf32, #tpu.memory_space<vmem>>) offsets(%arg7 : memref<80xi32, #tpu.memory_space<vmem>>) semaphore(%arg20 : memref<!tpu.dma_semaphore, #tpu.memory_space<semaphore_mem>>)
      %dma_wait3A_59 = tpu.memref_slice %arg3[%add3A_35] : memref<320000xi32, #tpu.memory_space<hbm>> -> memref<80xi32, #tpu.memory_space<hbm>>
      %dma_wait3A_60 = tpu.memref_slice %arg3[%add3A_35] : memref<320000xi32, #tpu.memory_space<hbm>> -> memref<80xi32, #tpu.memory_space<hbm>>
      tpu.wait_dma2 semaphore(%arg19 : memref<!tpu.dma_semaphore, #tpu.memory_space<semaphore_mem>>) src(%dma_wait3A_60 : memref<80xi32, #tpu.memory_space<hbm>>) dst(%arg8 : memref<80xi32, #tpu.memory_space<vmem>>)
      %dma_wait3A_61 = tpu.memref_slice %arg4[%add3A_35] : memref<320000xi32, #tpu.memory_space<hbm>> -> memref<80xi32, #tpu.memory_space<hbm>>
      %dma_wait3A_62 = tpu.memref_slice %arg4[%add3A_35] : memref<320000xi32, #tpu.memory_space<hbm>> -> memref<80xi32, #tpu.memory_space<hbm>>
      tpu.wait_dma2 semaphore(%arg19 : memref<!tpu.dma_semaphore, #tpu.memory_space<semaphore_mem>>) src(%dma_wait3A_62 : memref<80xi32, #tpu.memory_space<hbm>>) dst(%arg12 : memref<80xi32, #tpu.memory_space<vmem>>)
      %dma_start3A_63 = arith.constant 0 : i32
      %dma_start3A_64 = arith.constant 0 : i32
      %dma_start3A_65 = tpu.memref_slice %arg2[%dma_start3A_63, %dma_start3A_64] : memref<10000x128xf32, #tpu.memory_space<hbm>> -> memref<10000x128xf32, #tpu.memory_space<hbm>>
      tpu.enqueue_indirect_dma source(%dma_start3A_65 : memref<10000x128xf32, #tpu.memory_space<hbm>>) target(%arg16 : memref<80x128xf32, #tpu.memory_space<vmem>>) offsets(%arg8 : memref<80xi32, #tpu.memory_space<vmem>>) semaphore(%arg21 : memref<!tpu.dma_semaphore, #tpu.memory_space<semaphore_mem>>)
      %dma_wait3A_66 = tpu.memref_slice %arg3[%add3A_41] : memref<320000xi32, #tpu.memory_space<hbm>> -> memref<80xi32, #tpu.memory_space<hbm>>
      %dma_wait3A_67 = tpu.memref_slice %arg3[%add3A_41] : memref<320000xi32, #tpu.memory_space<hbm>> -> memref<80xi32, #tpu.memory_space<hbm>>
      tpu.wait_dma2 semaphore(%arg19 : memref<!tpu.dma_semaphore, #tpu.memory_space<semaphore_mem>>) src(%dma_wait3A_67 : memref<80xi32, #tpu.memory_space<hbm>>) dst(%arg9 : memref<80xi32, #tpu.memory_space<vmem>>)
      %dma_wait3A_68 = tpu.memref_slice %arg4[%add3A_41] : memref<320000xi32, #tpu.memory_space<hbm>> -> memref<80xi32, #tpu.memory_space<hbm>>
      %dma_wait3A_69 = tpu.memref_slice %arg4[%add3A_41] : memref<320000xi32, #tpu.memory_space<hbm>> -> memref<80xi32, #tpu.memory_space<hbm>>
      tpu.wait_dma2 semaphore(%arg19 : memref<!tpu.dma_semaphore, #tpu.memory_space<semaphore_mem>>) src(%dma_wait3A_69 : memref<80xi32, #tpu.memory_space<hbm>>) dst(%arg13 : memref<80xi32, #tpu.memory_space<vmem>>)
      %dma_start3A_70 = arith.constant 0 : i32
      %dma_start3A_71 = arith.constant 0 : i32
      %dma_start3A_72 = tpu.memref_slice %arg2[%dma_start3A_70, %dma_start3A_71] : memref<10000x128xf32, #tpu.memory_space<hbm>> -> memref<10000x128xf32, #tpu.memory_space<hbm>>
      tpu.enqueue_indirect_dma source(%dma_start3A_72 : memref<10000x128xf32, #tpu.memory_space<hbm>>) target(%arg17 : memref<80x128xf32, #tpu.memory_space<vmem>>) offsets(%arg9 : memref<80xi32, #tpu.memory_space<vmem>>) semaphore(%arg22 : memref<!tpu.dma_semaphore, #tpu.memory_space<semaphore_mem>>)
      %dma_wait3A_73 = tpu.memref_slice %arg3[%add3A_47] : memref<320000xi32, #tpu.memory_space<hbm>> -> memref<80xi32, #tpu.memory_space<hbm>>
      %dma_wait3A_74 = tpu.memref_slice %arg3[%add3A_47] : memref<320000xi32, #tpu.memory_space<hbm>> -> memref<80xi32, #tpu.memory_space<hbm>>
      tpu.wait_dma2 semaphore(%arg19 : memref<!tpu.dma_semaphore, #tpu.memory_space<semaphore_mem>>) src(%dma_wait3A_74 : memref<80xi32, #tpu.memory_space<hbm>>) dst(%arg10 : memref<80xi32, #tpu.memory_space<vmem>>)
      %dma_wait3A_75 = tpu.memref_slice %arg4[%add3A_47] : memref<320000xi32, #tpu.memory_space<hbm>> -> memref<80xi32, #tpu.memory_space<hbm>>
      %dma_wait3A_76 = tpu.memref_slice %arg4[%add3A_47] : memref<320000xi32, #tpu.memory_space<hbm>> -> memref<80xi32, #tpu.memory_space<hbm>>
      tpu.wait_dma2 semaphore(%arg19 : memref<!tpu.dma_semaphore, #tpu.memory_space<semaphore_mem>>) src(%dma_wait3A_76 : memref<80xi32, #tpu.memory_space<hbm>>) dst(%arg14 : memref<80xi32, #tpu.memory_space<vmem>>)
      %dma_start3A_77 = arith.constant 0 : i32
      %dma_start3A_78 = arith.constant 0 : i32
      %dma_start3A_79 = tpu.memref_slice %arg2[%dma_start3A_77, %dma_start3A_78] : memref<10000x128xf32, #tpu.memory_space<hbm>> -> memref<10000x128xf32, #tpu.memory_space<hbm>>
      tpu.enqueue_indirect_dma source(%dma_start3A_79 : memref<10000x128xf32, #tpu.memory_space<hbm>>) target(%arg18 : memref<80x128xf32, #tpu.memory_space<vmem>>) offsets(%arg10 : memref<80xi32, #tpu.memory_space<vmem>>) semaphore(%arg23 : memref<!tpu.dma_semaphore, #tpu.memory_space<semaphore_mem>>)
      %dma_wait3A_80 = arith.constant 0 : i32
      %dma_wait3A_81 = arith.constant 0 : i32
      %dma_wait3A_82 = tpu.memref_slice %arg2[%dma_wait3A_80, %dma_wait3A_81] : memref<10000x128xf32, #tpu.memory_space<hbm>> -> memref<10000x128xf32, #tpu.memory_space<hbm>>
      tpu.wait_indirect_dma semaphore(%arg20 : memref<!tpu.dma_semaphore, #tpu.memory_space<semaphore_mem>>) src(%dma_wait3A_82 : memref<10000x128xf32, #tpu.memory_space<hbm>>) dst(%arg15 : memref<80x128xf32, #tpu.memory_space<vmem>>)
      %dma_start3A_83 = arith.constant 0 : i32
      %dma_start3A_84 = arith.constant 0 : i32
      %dma_start3A_85 = tpu.memref_slice %arg28[%dma_start3A_83, %dma_start3A_84] : memref<10000x128xf32, #tpu.memory_space<vmem_shared>> -> memref<10000x128xf32, #tpu.memory_space<vmem_shared>>
      tpu.enqueue_indirect_dma source(%arg15 : memref<80x128xf32, #tpu.memory_space<vmem>>) target(%dma_start3A_85 : memref<10000x128xf32, #tpu.memory_space<vmem_shared>>) offsets(%arg11 : memref<80xi32, #tpu.memory_space<vmem>>) semaphore(%arg24 : memref<!tpu.dma_semaphore, #tpu.memory_space<semaphore_mem>>) {add = true}
      %dma_wait3A_86 = arith.constant 0 : i32
      %dma_wait3A_87 = arith.constant 0 : i32
      %dma_wait3A_88 = tpu.memref_slice %arg2[%dma_wait3A_86, %dma_wait3A_87] : memref<10000x128xf32, #tpu.memory_space<hbm>> -> memref<10000x128xf32, #tpu.memory_space<hbm>>
      tpu.wait_indirect_dma semaphore(%arg21 : memref<!tpu.dma_semaphore, #tpu.memory_space<semaphore_mem>>) src(%dma_wait3A_88 : memref<10000x128xf32, #tpu.memory_space<hbm>>) dst(%arg16 : memref<80x128xf32, #tpu.memory_space<vmem>>)
      %dma_start3A_89 = arith.constant 0 : i32
      %dma_start3A_90 = arith.constant 0 : i32
      %dma_start3A_91 = tpu.memref_slice %arg28[%dma_start3A_89, %dma_start3A_90] : memref<10000x128xf32, #tpu.memory_space<vmem_shared>> -> memref<10000x128xf32, #tpu.memory_space<vmem_shared>>
      tpu.enqueue_indirect_dma source(%arg16 : memref<80x128xf32, #tpu.memory_space<vmem>>) target(%dma_start3A_91 : memref<10000x128xf32, #tpu.memory_space<vmem_shared>>) offsets(%arg12 : memref<80xi32, #tpu.memory_space<vmem>>) semaphore(%arg25 : memref<!tpu.dma_semaphore, #tpu.memory_space<semaphore_mem>>) {add = true}
      %dma_wait3A_92 = arith.constant 0 : i32
      %dma_wait3A_93 = arith.constant 0 : i32
      %dma_wait3A_94 = tpu.memref_slice %arg2[%dma_wait3A_92, %dma_wait3A_93] : memref<10000x128xf32, #tpu.memory_space<hbm>> -> memref<10000x128xf32, #tpu.memory_space<hbm>>
      tpu.wait_indirect_dma semaphore(%arg22 : memref<!tpu.dma_semaphore, #tpu.memory_space<semaphore_mem>>) src(%dma_wait3A_94 : memref<10000x128xf32, #tpu.memory_space<hbm>>) dst(%arg17 : memref<80x128xf32, #tpu.memory_space<vmem>>)
      %dma_start3A_95 = arith.constant 0 : i32
      %dma_start3A_96 = arith.constant 0 : i32
      %dma_start3A_97 = tpu.memref_slice %arg28[%dma_start3A_95, %dma_start3A_96] : memref<10000x128xf32, #tpu.memory_space<vmem_shared>> -> memref<10000x128xf32, #tpu.memory_space<vmem_shared>>
      tpu.enqueue_indirect_dma source(%arg17 : memref<80x128xf32, #tpu.memory_space<vmem>>) target(%dma_start3A_97 : memref<10000x128xf32, #tpu.memory_space<vmem_shared>>) offsets(%arg13 : memref<80xi32, #tpu.memory_space<vmem>>) semaphore(%arg26 : memref<!tpu.dma_semaphore, #tpu.memory_space<semaphore_mem>>) {add = true}
      %dma_wait3A_98 = arith.constant 0 : i32
      %dma_wait3A_99 = arith.constant 0 : i32
      %dma_wait3A_100 = tpu.memref_slice %arg2[%dma_wait3A_98, %dma_wait3A_99] : memref<10000x128xf32, #tpu.memory_space<hbm>> -> memref<10000x128xf32, #tpu.memory_space<hbm>>
      tpu.wait_indirect_dma semaphore(%arg23 : memref<!tpu.dma_semaphore, #tpu.memory_space<semaphore_mem>>) src(%dma_wait3A_100 : memref<10000x128xf32, #tpu.memory_space<hbm>>) dst(%arg18 : memref<80x128xf32, #tpu.memory_space<vmem>>)
      %dma_start3A_101 = arith.constant 0 : i32
      %dma_start3A_102 = arith.constant 0 : i32
      %dma_start3A_103 = tpu.memref_slice %arg28[%dma_start3A_101, %dma_start3A_102] : memref<10000x128xf32, #tpu.memory_space<vmem_shared>> -> memref<10000x128xf32, #tpu.memory_space<vmem_shared>>
      tpu.enqueue_indirect_dma source(%arg18 : memref<80x128xf32, #tpu.memory_space<vmem>>) target(%dma_start3A_103 : memref<10000x128xf32, #tpu.memory_space<vmem_shared>>) offsets(%arg14 : memref<80xi32, #tpu.memory_space<vmem>>) semaphore(%arg27 : memref<!tpu.dma_semaphore, #tpu.memory_space<semaphore_mem>>) {add = true}
      %dma_wait3A_104 = arith.constant 0 : i32
      %dma_wait3A_105 = arith.constant 0 : i32
      %dma_wait3A_106 = tpu.memref_slice %arg28[%dma_wait3A_104, %dma_wait3A_105] : memref<10000x128xf32, #tpu.memory_space<vmem_shared>> -> memref<10000x128xf32, #tpu.memory_space<vmem_shared>>
      tpu.wait_indirect_dma semaphore(%arg24 : memref<!tpu.dma_semaphore, #tpu.memory_space<semaphore_mem>>) src(%arg15 : memref<80x128xf32, #tpu.memory_space<vmem>>) dst(%dma_wait3A_106 : memref<10000x128xf32, #tpu.memory_space<vmem_shared>>)
      %dma_wait3A_107 = arith.constant 0 : i32
      %dma_wait3A_108 = arith.constant 0 : i32
      %dma_wait3A_109 = tpu.memref_slice %arg28[%dma_wait3A_107, %dma_wait3A_108] : memref<10000x128xf32, #tpu.memory_space<vmem_shared>> -> memref<10000x128xf32, #tpu.memory_space<vmem_shared>>
      tpu.wait_indirect_dma semaphore(%arg25 : memref<!tpu.dma_semaphore, #tpu.memory_space<semaphore_mem>>) src(%arg16 : memref<80x128xf32, #tpu.memory_space<vmem>>) dst(%dma_wait3A_109 : memref<10000x128xf32, #tpu.memory_space<vmem_shared>>)
      %dma_wait3A_110 = arith.constant 0 : i32
      %dma_wait3A_111 = arith.constant 0 : i32
      %dma_wait3A_112 = tpu.memref_slice %arg28[%dma_wait3A_110, %dma_wait3A_111] : memref<10000x128xf32, #tpu.memory_space<vmem_shared>> -> memref<10000x128xf32, #tpu.memory_space<vmem_shared>>
      tpu.wait_indirect_dma semaphore(%arg26 : memref<!tpu.dma_semaphore, #tpu.memory_space<semaphore_mem>>) src(%arg17 : memref<80x128xf32, #tpu.memory_space<vmem>>) dst(%dma_wait3A_112 : memref<10000x128xf32, #tpu.memory_space<vmem_shared>>)
      %dma_wait3A_113 = arith.constant 0 : i32
      %dma_wait3A_114 = arith.constant 0 : i32
      %dma_wait3A_115 = tpu.memref_slice %arg28[%dma_wait3A_113, %dma_wait3A_114] : memref<10000x128xf32, #tpu.memory_space<vmem_shared>> -> memref<10000x128xf32, #tpu.memory_space<vmem_shared>>
      tpu.wait_indirect_dma semaphore(%arg27 : memref<!tpu.dma_semaphore, #tpu.memory_space<semaphore_mem>>) src(%arg18 : memref<80x128xf32, #tpu.memory_space<vmem>>) dst(%dma_wait3A_115 : memref<10000x128xf32, #tpu.memory_space<vmem_shared>>)
    }
    %scan3A_7 = arith.constant 31 : i32
    %mul3A_8 = arith.constant 10000 : i32
    %mul3A_9 = arith.muli %add3A, %mul3A_8 : i32
    %add3A_10 = arith.constant 9920 : i32
    %add3A_11 = arith.addi %mul3A_9, %add3A_10 : i32
    "tpu.region"() ({
      %run_scoped3A = tpu.sem_alloc : memref<!tpu.dma_semaphore, #tpu.memory_space<semaphore_mem>>
      %dma_start3A_22 = tpu.memref_slice %arg3[%add3A_11] : memref<320000xi32, #tpu.memory_space<hbm>> -> memref<80xi32, #tpu.memory_space<hbm>>
      %dma_start3A_23 = tpu.memref_slice %arg3[%add3A_11] : memref<320000xi32, #tpu.memory_space<hbm>> -> memref<80xi32, #tpu.memory_space<hbm>>
      tpu.enqueue_dma source(%dma_start3A_23 : memref<80xi32, #tpu.memory_space<hbm>>) target(%arg7 : memref<80xi32, #tpu.memory_space<vmem>>) target_semaphore(%run_scoped3A : memref<!tpu.dma_semaphore, #tpu.memory_space<semaphore_mem>>)
      %dma_wait3A_24 = tpu.memref_slice %arg3[%add3A_11] : memref<320000xi32, #tpu.memory_space<hbm>> -> memref<80xi32, #tpu.memory_space<hbm>>
      %dma_wait3A_25 = tpu.memref_slice %arg3[%add3A_11] : memref<320000xi32, #tpu.memory_space<hbm>> -> memref<80xi32, #tpu.memory_space<hbm>>
      tpu.wait_dma2 semaphore(%run_scoped3A : memref<!tpu.dma_semaphore, #tpu.memory_space<semaphore_mem>>) src(%dma_wait3A_25 : memref<80xi32, #tpu.memory_space<hbm>>) dst(%arg7 : memref<80xi32, #tpu.memory_space<vmem>>)
      tpu.yield
    }) : () -> ()
    "tpu.region"() ({
      %run_scoped3A = tpu.sem_alloc : memref<!tpu.dma_semaphore, #tpu.memory_space<semaphore_mem>>
      %dma_start3A_22 = tpu.memref_slice %arg4[%add3A_11] : memref<320000xi32, #tpu.memory_space<hbm>> -> memref<80xi32, #tpu.memory_space<hbm>>
      %dma_start3A_23 = tpu.memref_slice %arg4[%add3A_11] : memref<320000xi32, #tpu.memory_space<hbm>> -> memref<80xi32, #tpu.memory_space<hbm>>
      tpu.enqueue_dma source(%dma_start3A_23 : memref<80xi32, #tpu.memory_space<hbm>>) target(%arg11 : memref<80xi32, #tpu.memory_space<vmem>>) target_semaphore(%run_scoped3A : memref<!tpu.dma_semaphore, #tpu.memory_space<semaphore_mem>>)
      %dma_wait3A_24 = tpu.memref_slice %arg4[%add3A_11] : memref<320000xi32, #tpu.memory_space<hbm>> -> memref<80xi32, #tpu.memory_space<hbm>>
      %dma_wait3A_25 = tpu.memref_slice %arg4[%add3A_11] : memref<320000xi32, #tpu.memory_space<hbm>> -> memref<80xi32, #tpu.memory_space<hbm>>
      tpu.wait_dma2 semaphore(%run_scoped3A : memref<!tpu.dma_semaphore, #tpu.memory_space<semaphore_mem>>) src(%dma_wait3A_25 : memref<80xi32, #tpu.memory_space<hbm>>) dst(%arg11 : memref<80xi32, #tpu.memory_space<vmem>>)
      tpu.yield
    }) : () -> ()
    %dma_start3A = arith.constant 0 : i32
    %dma_start3A_12 = arith.constant 0 : i32
    %dma_start3A_13 = tpu.memref_slice %arg2[%dma_start3A, %dma_start3A_12] : memref<10000x128xf32, #tpu.memory_space<hbm>> -> memref<10000x128xf32, #tpu.memory_space<hbm>>
    tpu.enqueue_indirect_dma source(%dma_start3A_13 : memref<10000x128xf32, #tpu.memory_space<hbm>>) target(%arg15 : memref<80x128xf32, #tpu.memory_space<vmem>>) offsets(%arg7 : memref<80xi32, #tpu.memory_space<vmem>>) semaphore(%arg20 : memref<!tpu.dma_semaphore, #tpu.memory_space<semaphore_mem>>)
    %dma_wait3A = arith.constant 0 : i32
    %dma_wait3A_14 = arith.constant 0 : i32
    %dma_wait3A_15 = tpu.memref_slice %arg2[%dma_wait3A, %dma_wait3A_14] : memref<10000x128xf32, #tpu.memory_space<hbm>> -> memref<10000x128xf32, #tpu.memory_space<hbm>>
    tpu.wait_indirect_dma semaphore(%arg20 : memref<!tpu.dma_semaphore, #tpu.memory_space<semaphore_mem>>) src(%dma_wait3A_15 : memref<10000x128xf32, #tpu.memory_space<hbm>>) dst(%arg15 : memref<80x128xf32, #tpu.memory_space<vmem>>)
    "tpu.region"() ({
      %run_scoped3A = tpu.sem_alloc : memref<!tpu.dma_semaphore, #tpu.memory_space<semaphore_mem>>
      %dma_start3A_22 = arith.constant 0 : i32
      %dma_start3A_23 = arith.constant 0 : i32
      %dma_start3A_24 = tpu.memref_slice %arg28[%dma_start3A_22, %dma_start3A_23] : memref<10000x128xf32, #tpu.memory_space<vmem_shared>> -> memref<10000x128xf32, #tpu.memory_space<vmem_shared>>
      tpu.enqueue_indirect_dma source(%arg15 : memref<80x128xf32, #tpu.memory_space<vmem>>) target(%dma_start3A_24 : memref<10000x128xf32, #tpu.memory_space<vmem_shared>>) offsets(%arg11 : memref<80xi32, #tpu.memory_space<vmem>>) semaphore(%run_scoped3A : memref<!tpu.dma_semaphore, #tpu.memory_space<semaphore_mem>>) {add = true}
      %dma_wait3A_25 = arith.constant 0 : i32
      %dma_wait3A_26 = arith.constant 0 : i32
      %dma_wait3A_27 = tpu.memref_slice %arg28[%dma_wait3A_25, %dma_wait3A_26] : memref<10000x128xf32, #tpu.memory_space<vmem_shared>> -> memref<10000x128xf32, #tpu.memory_space<vmem_shared>>
      tpu.wait_indirect_dma semaphore(%run_scoped3A : memref<!tpu.dma_semaphore, #tpu.memory_space<semaphore_mem>>) src(%arg15 : memref<80x128xf32, #tpu.memory_space<vmem>>) dst(%dma_wait3A_27 : memref<10000x128xf32, #tpu.memory_space<vmem_shared>>)
      tpu.yield
    }) : () -> ()
    %barrier3A_16 = arith.constant 0 : index
    tpu.barrier barrier_id(%barrier3A_16)
    %lt3A_17 = arith.constant 10 : i32
    %lt3A_18 = arith.cmpi slt, %arg1, %lt3A_17 : i32
    %convert_element_type3A_19 = arith.extui %lt3A_18 : i1 to i32
    %cond3A_20 = arith.constant 0 : i32
    %cond3A_21 = arith.cmpi ne, %convert_element_type3A_19, %cond3A_20 : i32
    scf.if %cond3A_21 {
      %mul3A_22 = arith.constant 1000 : i32
      %mul3A_23 = arith.muli %arg1, %mul3A_22 : i32
      %mul3A_24 = arith.constant 1000 : i32
      %mul3A_25 = arith.muli %arg1, %mul3A_24 : i32
      "tpu.region"() ({
        %run_scoped3A = tpu.sem_alloc : memref<!tpu.dma_semaphore, #tpu.memory_space<semaphore_mem>>
        %dma_start3A_26 = arith.constant 0 : i32
        %dma_start3A_27 = tpu.memref_slice %arg6[%arg0, %mul3A_25, %dma_start3A_26] : memref<2x10000x128xf32, #tpu.memory_space<hbm>> -> memref<1x1000x128xf32, #tpu.memory_space<hbm>>
        %dma_start3A_28 = tpu.memref_squeeze %dma_start3A_27 : memref<1x1000x128xf32, #tpu.memory_space<hbm>> -> memref<1000x128xf32, #tpu.memory_space<hbm>>
        %dma_start3A_29 = arith.constant 0 : i32
        %dma_start3A_30 = tpu.memref_slice %arg28[%mul3A_23, %dma_start3A_29] : memref<10000x128xf32, #tpu.memory_space<vmem_shared>> -> memref<1000x128xf32, #tpu.memory_space<vmem_shared>>
        tpu.enqueue_dma source(%dma_start3A_30 : memref<1000x128xf32, #tpu.memory_space<vmem_shared>>) target(%dma_start3A_28 : memref<1000x128xf32, #tpu.memory_space<hbm>>) target_semaphore(%run_scoped3A : memref<!tpu.dma_semaphore, #tpu.memory_space<semaphore_mem>>)
        %dma_wait3A_31 = arith.constant 0 : i32
        %dma_wait3A_32 = tpu.memref_slice %arg6[%arg0, %mul3A_25, %dma_wait3A_31] : memref<2x10000x128xf32, #tpu.memory_space<hbm>> -> memref<1x1000x128xf32, #tpu.memory_space<hbm>>
        %dma_wait3A_33 = tpu.memref_squeeze %dma_wait3A_32 : memref<1x1000x128xf32, #tpu.memory_space<hbm>> -> memref<1000x128xf32, #tpu.memory_space<hbm>>
        %dma_wait3A_34 = arith.constant 0 : i32
        %dma_wait3A_35 = tpu.memref_slice %arg28[%mul3A_23, %dma_wait3A_34] : memref<10000x128xf32, #tpu.memory_space<vmem_shared>> -> memref<1000x128xf32, #tpu.memory_space<vmem_shared>>
        tpu.wait_dma2 semaphore(%run_scoped3A : memref<!tpu.dma_semaphore, #tpu.memory_space<semaphore_mem>>) src(%dma_wait3A_35 : memref<1000x128xf32, #tpu.memory_space<vmem_shared>>) dst(%dma_wait3A_33 : memref<1000x128xf32, #tpu.memory_space<hbm>>)
        tpu.yield
      }) : () -> ()
    } else {
    }
    return
  }
}

#map = affine_map<(d0, d1) -> (0, 0)>
#map1 = affine_map<(d0, d1) -> (0)>
#map2 = affine_map<(d0, d1) -> (0, 0, 0)>
module attributes {stable_mosaic.version = 14 : i64} {
  func.func @_spmm_body(%arg0: i32, %arg1: i32, %arg2: memref<10000x128xf32, #tpu.memory_space<hbm>>, %arg3: memref<320000xi32, #tpu.memory_space<hbm>>, %arg4: memref<320000xi32, #tpu.memory_space<hbm>>, %arg5: memref<1000x128xf32, #tpu.memory_space<hbm>>, %arg6: memref<2x10000x128xf32, #tpu.memory_space<hbm>>, %arg7: memref<80xi32, #tpu.memory_space<vmem>>, %arg8: memref<80xi32, #tpu.memory_space<vmem>>, %arg9: memref<80xi32, #tpu.memory_space<vmem>>, %arg10: memref<80xi32, #tpu.memory_space<vmem>>, %arg11: memref<80xi32, #tpu.memory_space<vmem>>, %arg12: memref<80xi32, #tpu.memory_space<vmem>>, %arg13: memref<80xi32, #tpu.memory_space<vmem>>, %arg14: memref<80xi32, #tpu.memory_space<vmem>>, %arg15: memref<80x128xf32, #tpu.memory_space<vmem>>, %arg16: memref<80x128xf32, #tpu.memory_space<vmem>>, %arg17: memref<80x128xf32, #tpu.memory_space<vmem>>, %arg18: memref<80x128xf32, #tpu.memory_space<vmem>>, %arg19: memref<!tpu.dma_semaphore, #tpu.memory_space<semaphore_mem>>, %arg20: memref<!tpu.dma_semaphore, #tpu.memory_space<semaphore_mem>>, %arg21: memref<!tpu.dma_semaphore, #tpu.memory_space<semaphore_mem>>, %arg22: memref<!tpu.dma_semaphore, #tpu.memory_space<semaphore_mem>>, %arg23: memref<!tpu.dma_semaphore, #tpu.memory_space<semaphore_mem>>, %arg24: memref<!tpu.dma_semaphore, #tpu.memory_space<semaphore_mem>>, %arg25: memref<!tpu.dma_semaphore, #tpu.memory_space<semaphore_mem>>, %arg26: memref<!tpu.dma_semaphore, #tpu.memory_space<semaphore_mem>>, %arg27: memref<!tpu.dma_semaphore, #tpu.memory_space<semaphore_mem>>, %arg28: memref<10000x128xf32, #tpu.memory_space<vmem_shared>>) attributes {dimension_semantics = [#tpu.dimension_semantics<core_parallel>, #tpu.dimension_semantics<subcore_parallel>], iteration_bounds = array<i64: 2, 16>, scalar_prefetch = 0 : i64, scratch_operands = 22 : i64, tpu.core_type = #tpu.core_type<sc_vector_subcore>, window_params = [{transform_indices = #map}, {transform_indices = #map1}, {transform_indices = #map1}, {transform_indices = #map}, {transform_indices = #map2}]} {
    %mul3A = arith.constant 16 : i32
    %mul3A_0 = arith.muli %arg0, %mul3A : i32
    %add3A = arith.addi %mul3A_0, %arg1 : i32
    %lt3A = arith.constant 10 : i32
    %lt3A_1 = arith.cmpi slt, %arg1, %lt3A : i32
    %convert_element_type3A = arith.extui %lt3A_1 : i1 to i32
    %cond3A = arith.constant 0 : i32
    %cond3A_2 = arith.cmpi ne, %convert_element_type3A, %cond3A : i32
    scf.if %cond3A_2 {
      %mul3A_22 = arith.constant 1000 : i32
      %mul3A_23 = arith.muli %arg1, %mul3A_22 : i32
      "tpu.region"() ({
        %run_scoped3A = tpu.sem_alloc : memref<!tpu.dma_semaphore, #tpu.memory_space<semaphore_mem>>
        %dma_start3A_24 = arith.constant 0 : i32
        %dma_start3A_25 = tpu.memref_slice %arg28[%mul3A_23, %dma_start3A_24] : memref<10000x128xf32, #tpu.memory_space<vmem_shared>> -> memref<1000x128xf32, #tpu.memory_space<vmem_shared>>
        tpu.enqueue_dma source(%arg5 : memref<1000x128xf32, #tpu.memory_space<hbm>>) target(%dma_start3A_25 : memref<1000x128xf32, #tpu.memory_space<vmem_shared>>) target_semaphore(%run_scoped3A : memref<!tpu.dma_semaphore, #tpu.memory_space<semaphore_mem>>)
        %dma_wait3A_26 = arith.constant 0 : i32
        %dma_wait3A_27 = tpu.memref_slice %arg28[%mul3A_23, %dma_wait3A_26] : memref<10000x128xf32, #tpu.memory_space<vmem_shared>> -> memref<1000x128xf32, #tpu.memory_space<vmem_shared>>
        tpu.wait_dma2 semaphore(%run_scoped3A : memref<!tpu.dma_semaphore, #tpu.memory_space<semaphore_mem>>) src(%arg5 : memref<1000x128xf32, #tpu.memory_space<hbm>>) dst(%dma_wait3A_27 : memref<1000x128xf32, #tpu.memory_space<vmem_shared>>)
        tpu.yield
      }) : () -> ()
    } else {
    }
    %barrier3A = arith.constant 0 : index
    tpu.barrier barrier_id(%barrier3A)
    %scan3A = arith.constant 0 : i32
    %scan3A_3 = arith.constant 0 : i32
    %scan3A_4 = arith.constant 31 : i32
    %scan3A_5 = arith.addi %scan3A_3, %scan3A_4 : i32
    %scan3A_6 = arith.constant 1 : i32
    scf.for %scan3A_22 = %scan3A_3 to %scan3A_5 step %scan3A_6  : i32 {
      %mul3A_23 = arith.constant 10000 : i32
      %mul3A_24 = arith.muli %add3A, %mul3A_23 : i32
      %mul3A_25 = arith.constant 320 : i32
      %mul3A_26 = arith.muli %scan3A_22, %mul3A_25 : i32
      %add3A_27 = arith.addi %mul3A_24, %mul3A_26 : i32
      %add3A_28 = arith.constant 0 : i32
      %add3A_29 = arith.addi %add3A_27, %add3A_28 : i32
      %dma_start3A_30 = tpu.memref_slice %arg3[%add3A_29] : memref<320000xi32, #tpu.memory_space<hbm>> -> memref<80xi32, #tpu.memory_space<hbm>>
      %dma_start3A_31 = tpu.memref_slice %arg3[%add3A_29] : memref<320000xi32, #tpu.memory_space<hbm>> -> memref<80xi32, #tpu.memory_space<hbm>>
      tpu.enqueue_dma source(%dma_start3A_31 : memref<80xi32, #tpu.memory_space<hbm>>) target(%arg7 : memref<80xi32, #tpu.memory_space<vmem>>) target_semaphore(%arg19 : memref<!tpu.dma_semaphore, #tpu.memory_space<semaphore_mem>>)
      %dma_start3A_32 = tpu.memref_slice %arg4[%add3A_29] : memref<320000xi32, #tpu.memory_space<hbm>> -> memref<80xi32, #tpu.memory_space<hbm>>
      %dma_start3A_33 = tpu.memref_slice %arg4[%add3A_29] : memref<320000xi32, #tpu.memory_space<hbm>> -> memref<80xi32, #tpu.memory_space<hbm>>
      tpu.enqueue_dma source(%dma_start3A_33 : memref<80xi32, #tpu.memory_space<hbm>>) target(%arg11 : memref<80xi32, #tpu.memory_space<vmem>>) target_semaphore(%arg19 : memref<!tpu.dma_semaphore, #tpu.memory_space<semaphore_mem>>)
      %add3A_34 = arith.constant 80 : i32
      %add3A_35 = arith.addi %add3A_27, %add3A_34 : i32
      %dma_start3A_36 = tpu.memref_slice %arg3[%add3A_35] : memref<320000xi32, #tpu.memory_space<hbm>> -> memref<80xi32, #tpu.memory_space<hbm>>
      %dma_start3A_37 = tpu.memref_slice %arg3[%add3A_35] : memref<320000xi32, #tpu.memory_space<hbm>> -> memref<80xi32, #tpu.memory_space<hbm>>
      tpu.enqueue_dma source(%dma_start3A_37 : memref<80xi32, #tpu.memory_space<hbm>>) target(%arg8 : memref<80xi32, #tpu.memory_space<vmem>>) target_semaphore(%arg19 : memref<!tpu.dma_semaphore, #tpu.memory_space<semaphore_mem>>)
      %dma_start3A_38 = tpu.memref_slice %arg4[%add3A_35] : memref<320000xi32, #tpu.memory_space<hbm>> -> memref<80xi32, #tpu.memory_space<hbm>>
      %dma_start3A_39 = tpu.memref_slice %arg4[%add3A_35] : memref<320000xi32, #tpu.memory_space<hbm>> -> memref<80xi32, #tpu.memory_space<hbm>>
      tpu.enqueue_dma source(%dma_start3A_39 : memref<80xi32, #tpu.memory_space<hbm>>) target(%arg12 : memref<80xi32, #tpu.memory_space<vmem>>) target_semaphore(%arg19 : memref<!tpu.dma_semaphore, #tpu.memory_space<semaphore_mem>>)
      %add3A_40 = arith.constant 160 : i32
      %add3A_41 = arith.addi %add3A_27, %add3A_40 : i32
      %dma_start3A_42 = tpu.memref_slice %arg3[%add3A_41] : memref<320000xi32, #tpu.memory_space<hbm>> -> memref<80xi32, #tpu.memory_space<hbm>>
      %dma_start3A_43 = tpu.memref_slice %arg3[%add3A_41] : memref<320000xi32, #tpu.memory_space<hbm>> -> memref<80xi32, #tpu.memory_space<hbm>>
      tpu.enqueue_dma source(%dma_start3A_43 : memref<80xi32, #tpu.memory_space<hbm>>) target(%arg9 : memref<80xi32, #tpu.memory_space<vmem>>) target_semaphore(%arg19 : memref<!tpu.dma_semaphore, #tpu.memory_space<semaphore_mem>>)
      %dma_start3A_44 = tpu.memref_slice %arg4[%add3A_41] : memref<320000xi32, #tpu.memory_space<hbm>> -> memref<80xi32, #tpu.memory_space<hbm>>
      %dma_start3A_45 = tpu.memref_slice %arg4[%add3A_41] : memref<320000xi32, #tpu.memory_space<hbm>> -> memref<80xi32, #tpu.memory_space<hbm>>
      tpu.enqueue_dma source(%dma_start3A_45 : memref<80xi32, #tpu.memory_space<hbm>>) target(%arg13 : memref<80xi32, #tpu.memory_space<vmem>>) target_semaphore(%arg19 : memref<!tpu.dma_semaphore, #tpu.memory_space<semaphore_mem>>)
      %add3A_46 = arith.constant 240 : i32
      %add3A_47 = arith.addi %add3A_27, %add3A_46 : i32
      %dma_start3A_48 = tpu.memref_slice %arg3[%add3A_47] : memref<320000xi32, #tpu.memory_space<hbm>> -> memref<80xi32, #tpu.memory_space<hbm>>
      %dma_start3A_49 = tpu.memref_slice %arg3[%add3A_47] : memref<320000xi32, #tpu.memory_space<hbm>> -> memref<80xi32, #tpu.memory_space<hbm>>
      tpu.enqueue_dma source(%dma_start3A_49 : memref<80xi32, #tpu.memory_space<hbm>>) target(%arg10 : memref<80xi32, #tpu.memory_space<vmem>>) target_semaphore(%arg19 : memref<!tpu.dma_semaphore, #tpu.memory_space<semaphore_mem>>)
      %dma_start3A_50 = tpu.memref_slice %arg4[%add3A_47] : memref<320000xi32, #tpu.memory_space<hbm>> -> memref<80xi32, #tpu.memory_space<hbm>>
      %dma_start3A_51 = tpu.memref_slice %arg4[%add3A_47] : memref<320000xi32, #tpu.memory_space<hbm>> -> memref<80xi32, #tpu.memory_space<hbm>>
      tpu.enqueue_dma source(%dma_start3A_51 : memref<80xi32, #tpu.memory_space<hbm>>) target(%arg14 : memref<80xi32, #tpu.memory_space<vmem>>) target_semaphore(%arg19 : memref<!tpu.dma_semaphore, #tpu.memory_space<semaphore_mem>>)
      %dma_wait3A_52 = tpu.memref_slice %arg3[%add3A_29] : memref<320000xi32, #tpu.memory_space<hbm>> -> memref<80xi32, #tpu.memory_space<hbm>>
      %dma_wait3A_53 = tpu.memref_slice %arg3[%add3A_29] : memref<320000xi32, #tpu.memory_space<hbm>> -> memref<80xi32, #tpu.memory_space<hbm>>
      tpu.wait_dma2 semaphore(%arg19 : memref<!tpu.dma_semaphore, #tpu.memory_space<semaphore_mem>>) src(%dma_wait3A_53 : memref<80xi32, #tpu.memory_space<hbm>>) dst(%arg7 : memref<80xi32, #tpu.memory_space<vmem>>)
      %dma_wait3A_54 = tpu.memref_slice %arg4[%add3A_29] : memref<320000xi32, #tpu.memory_space<hbm>> -> memref<80xi32, #tpu.memory_space<hbm>>
      %dma_wait3A_55 = tpu.memref_slice %arg4[%add3A_29] : memref<320000xi32, #tpu.memory_space<hbm>> -> memref<80xi32, #tpu.memory_space<hbm>>
      tpu.wait_dma2 semaphore(%arg19 : memref<!tpu.dma_semaphore, #tpu.memory_space<semaphore_mem>>) src(%dma_wait3A_55 : memref<80xi32, #tpu.memory_space<hbm>>) dst(%arg11 : memref<80xi32, #tpu.memory_space<vmem>>)
      %dma_start3A_56 = arith.constant 0 : i32
      %dma_start3A_57 = arith.constant 0 : i32
      %dma_start3A_58 = tpu.memref_slice %arg2[%dma_start3A_56, %dma_start3A_57] : memref<10000x128xf32, #tpu.memory_space<hbm>> -> memref<10000x128xf32, #tpu.memory_space<hbm>>
      tpu.enqueue_indirect_dma source(%dma_start3A_58 : memref<10000x128xf32, #tpu.memory_space<hbm>>) target(%arg15 : memref<80x128xf32, #tpu.memory_space<vmem>>) offsets(%arg7 : memref<80xi32, #tpu.memory_space<vmem>>) semaphore(%arg20 : memref<!tpu.dma_semaphore, #tpu.memory_space<semaphore_mem>>)
      %dma_wait3A_59 = tpu.memref_slice %arg3[%add3A_35] : memref<320000xi32, #tpu.memory_space<hbm>> -> memref<80xi32, #tpu.memory_space<hbm>>
      %dma_wait3A_60 = tpu.memref_slice %arg3[%add3A_35] : memref<320000xi32, #tpu.memory_space<hbm>> -> memref<80xi32, #tpu.memory_space<hbm>>
      tpu.wait_dma2 semaphore(%arg19 : memref<!tpu.dma_semaphore, #tpu.memory_space<semaphore_mem>>) src(%dma_wait3A_60 : memref<80xi32, #tpu.memory_space<hbm>>) dst(%arg8 : memref<80xi32, #tpu.memory_space<vmem>>)
      %dma_wait3A_61 = tpu.memref_slice %arg4[%add3A_35] : memref<320000xi32, #tpu.memory_space<hbm>> -> memref<80xi32, #tpu.memory_space<hbm>>
      %dma_wait3A_62 = tpu.memref_slice %arg4[%add3A_35] : memref<320000xi32, #tpu.memory_space<hbm>> -> memref<80xi32, #tpu.memory_space<hbm>>
      tpu.wait_dma2 semaphore(%arg19 : memref<!tpu.dma_semaphore, #tpu.memory_space<semaphore_mem>>) src(%dma_wait3A_62 : memref<80xi32, #tpu.memory_space<hbm>>) dst(%arg12 : memref<80xi32, #tpu.memory_space<vmem>>)
      %dma_start3A_63 = arith.constant 0 : i32
      %dma_start3A_64 = arith.constant 0 : i32
      %dma_start3A_65 = tpu.memref_slice %arg2[%dma_start3A_63, %dma_start3A_64] : memref<10000x128xf32, #tpu.memory_space<hbm>> -> memref<10000x128xf32, #tpu.memory_space<hbm>>
      tpu.enqueue_indirect_dma source(%dma_start3A_65 : memref<10000x128xf32, #tpu.memory_space<hbm>>) target(%arg16 : memref<80x128xf32, #tpu.memory_space<vmem>>) offsets(%arg8 : memref<80xi32, #tpu.memory_space<vmem>>) semaphore(%arg21 : memref<!tpu.dma_semaphore, #tpu.memory_space<semaphore_mem>>)
      %dma_wait3A_66 = tpu.memref_slice %arg3[%add3A_41] : memref<320000xi32, #tpu.memory_space<hbm>> -> memref<80xi32, #tpu.memory_space<hbm>>
      %dma_wait3A_67 = tpu.memref_slice %arg3[%add3A_41] : memref<320000xi32, #tpu.memory_space<hbm>> -> memref<80xi32, #tpu.memory_space<hbm>>
      tpu.wait_dma2 semaphore(%arg19 : memref<!tpu.dma_semaphore, #tpu.memory_space<semaphore_mem>>) src(%dma_wait3A_67 : memref<80xi32, #tpu.memory_space<hbm>>) dst(%arg9 : memref<80xi32, #tpu.memory_space<vmem>>)
      %dma_wait3A_68 = tpu.memref_slice %arg4[%add3A_41] : memref<320000xi32, #tpu.memory_space<hbm>> -> memref<80xi32, #tpu.memory_space<hbm>>
      %dma_wait3A_69 = tpu.memref_slice %arg4[%add3A_41] : memref<320000xi32, #tpu.memory_space<hbm>> -> memref<80xi32, #tpu.memory_space<hbm>>
      tpu.wait_dma2 semaphore(%arg19 : memref<!tpu.dma_semaphore, #tpu.memory_space<semaphore_mem>>) src(%dma_wait3A_69 : memref<80xi32, #tpu.memory_space<hbm>>) dst(%arg13 : memref<80xi32, #tpu.memory_space<vmem>>)
      %dma_start3A_70 = arith.constant 0 : i32
      %dma_start3A_71 = arith.constant 0 : i32
      %dma_start3A_72 = tpu.memref_slice %arg2[%dma_start3A_70, %dma_start3A_71] : memref<10000x128xf32, #tpu.memory_space<hbm>> -> memref<10000x128xf32, #tpu.memory_space<hbm>>
      tpu.enqueue_indirect_dma source(%dma_start3A_72 : memref<10000x128xf32, #tpu.memory_space<hbm>>) target(%arg17 : memref<80x128xf32, #tpu.memory_space<vmem>>) offsets(%arg9 : memref<80xi32, #tpu.memory_space<vmem>>) semaphore(%arg22 : memref<!tpu.dma_semaphore, #tpu.memory_space<semaphore_mem>>)
      %dma_wait3A_73 = tpu.memref_slice %arg3[%add3A_47] : memref<320000xi32, #tpu.memory_space<hbm>> -> memref<80xi32, #tpu.memory_space<hbm>>
      %dma_wait3A_74 = tpu.memref_slice %arg3[%add3A_47] : memref<320000xi32, #tpu.memory_space<hbm>> -> memref<80xi32, #tpu.memory_space<hbm>>
      tpu.wait_dma2 semaphore(%arg19 : memref<!tpu.dma_semaphore, #tpu.memory_space<semaphore_mem>>) src(%dma_wait3A_74 : memref<80xi32, #tpu.memory_space<hbm>>) dst(%arg10 : memref<80xi32, #tpu.memory_space<vmem>>)
      %dma_wait3A_75 = tpu.memref_slice %arg4[%add3A_47] : memref<320000xi32, #tpu.memory_space<hbm>> -> memref<80xi32, #tpu.memory_space<hbm>>
      %dma_wait3A_76 = tpu.memref_slice %arg4[%add3A_47] : memref<320000xi32, #tpu.memory_space<hbm>> -> memref<80xi32, #tpu.memory_space<hbm>>
      tpu.wait_dma2 semaphore(%arg19 : memref<!tpu.dma_semaphore, #tpu.memory_space<semaphore_mem>>) src(%dma_wait3A_76 : memref<80xi32, #tpu.memory_space<hbm>>) dst(%arg14 : memref<80xi32, #tpu.memory_space<vmem>>)
      %dma_start3A_77 = arith.constant 0 : i32
      %dma_start3A_78 = arith.constant 0 : i32
      %dma_start3A_79 = tpu.memref_slice %arg2[%dma_start3A_77, %dma_start3A_78] : memref<10000x128xf32, #tpu.memory_space<hbm>> -> memref<10000x128xf32, #tpu.memory_space<hbm>>
      tpu.enqueue_indirect_dma source(%dma_start3A_79 : memref<10000x128xf32, #tpu.memory_space<hbm>>) target(%arg18 : memref<80x128xf32, #tpu.memory_space<vmem>>) offsets(%arg10 : memref<80xi32, #tpu.memory_space<vmem>>) semaphore(%arg23 : memref<!tpu.dma_semaphore, #tpu.memory_space<semaphore_mem>>)
      %dma_wait3A_80 = arith.constant 0 : i32
      %dma_wait3A_81 = arith.constant 0 : i32
      %dma_wait3A_82 = tpu.memref_slice %arg2[%dma_wait3A_80, %dma_wait3A_81] : memref<10000x128xf32, #tpu.memory_space<hbm>> -> memref<10000x128xf32, #tpu.memory_space<hbm>>
      tpu.wait_indirect_dma semaphore(%arg20 : memref<!tpu.dma_semaphore, #tpu.memory_space<semaphore_mem>>) src(%dma_wait3A_82 : memref<10000x128xf32, #tpu.memory_space<hbm>>) dst(%arg15 : memref<80x128xf32, #tpu.memory_space<vmem>>)
      %dma_start3A_83 = arith.constant 0 : i32
      %dma_start3A_84 = arith.constant 0 : i32
      %dma_start3A_85 = tpu.memref_slice %arg28[%dma_start3A_83, %dma_start3A_84] : memref<10000x128xf32, #tpu.memory_space<vmem_shared>> -> memref<10000x128xf32, #tpu.memory_space<vmem_shared>>
      tpu.enqueue_indirect_dma source(%arg15 : memref<80x128xf32, #tpu.memory_space<vmem>>) target(%dma_start3A_85 : memref<10000x128xf32, #tpu.memory_space<vmem_shared>>) offsets(%arg11 : memref<80xi32, #tpu.memory_space<vmem>>) semaphore(%arg24 : memref<!tpu.dma_semaphore, #tpu.memory_space<semaphore_mem>>) {add = true}
      %dma_wait3A_86 = arith.constant 0 : i32
      %dma_wait3A_87 = arith.constant 0 : i32
      %dma_wait3A_88 = tpu.memref_slice %arg2[%dma_wait3A_86, %dma_wait3A_87] : memref<10000x128xf32, #tpu.memory_space<hbm>> -> memref<10000x128xf32, #tpu.memory_space<hbm>>
      tpu.wait_indirect_dma semaphore(%arg21 : memref<!tpu.dma_semaphore, #tpu.memory_space<semaphore_mem>>) src(%dma_wait3A_88 : memref<10000x128xf32, #tpu.memory_space<hbm>>) dst(%arg16 : memref<80x128xf32, #tpu.memory_space<vmem>>)
      %dma_start3A_89 = arith.constant 0 : i32
      %dma_start3A_90 = arith.constant 0 : i32
      %dma_start3A_91 = tpu.memref_slice %arg28[%dma_start3A_89, %dma_start3A_90] : memref<10000x128xf32, #tpu.memory_space<vmem_shared>> -> memref<10000x128xf32, #tpu.memory_space<vmem_shared>>
      tpu.enqueue_indirect_dma source(%arg16 : memref<80x128xf32, #tpu.memory_space<vmem>>) target(%dma_start3A_91 : memref<10000x128xf32, #tpu.memory_space<vmem_shared>>) offsets(%arg12 : memref<80xi32, #tpu.memory_space<vmem>>) semaphore(%arg25 : memref<!tpu.dma_semaphore, #tpu.memory_space<semaphore_mem>>) {add = true}
      %dma_wait3A_92 = arith.constant 0 : i32
      %dma_wait3A_93 = arith.constant 0 : i32
      %dma_wait3A_94 = tpu.memref_slice %arg2[%dma_wait3A_92, %dma_wait3A_93] : memref<10000x128xf32, #tpu.memory_space<hbm>> -> memref<10000x128xf32, #tpu.memory_space<hbm>>
      tpu.wait_indirect_dma semaphore(%arg22 : memref<!tpu.dma_semaphore, #tpu.memory_space<semaphore_mem>>) src(%dma_wait3A_94 : memref<10000x128xf32, #tpu.memory_space<hbm>>) dst(%arg17 : memref<80x128xf32, #tpu.memory_space<vmem>>)
      %dma_start3A_95 = arith.constant 0 : i32
      %dma_start3A_96 = arith.constant 0 : i32
      %dma_start3A_97 = tpu.memref_slice %arg28[%dma_start3A_95, %dma_start3A_96] : memref<10000x128xf32, #tpu.memory_space<vmem_shared>> -> memref<10000x128xf32, #tpu.memory_space<vmem_shared>>
      tpu.enqueue_indirect_dma source(%arg17 : memref<80x128xf32, #tpu.memory_space<vmem>>) target(%dma_start3A_97 : memref<10000x128xf32, #tpu.memory_space<vmem_shared>>) offsets(%arg13 : memref<80xi32, #tpu.memory_space<vmem>>) semaphore(%arg26 : memref<!tpu.dma_semaphore, #tpu.memory_space<semaphore_mem>>) {add = true}
      %dma_wait3A_98 = arith.constant 0 : i32
      %dma_wait3A_99 = arith.constant 0 : i32
      %dma_wait3A_100 = tpu.memref_slice %arg2[%dma_wait3A_98, %dma_wait3A_99] : memref<10000x128xf32, #tpu.memory_space<hbm>> -> memref<10000x128xf32, #tpu.memory_space<hbm>>
      tpu.wait_indirect_dma semaphore(%arg23 : memref<!tpu.dma_semaphore, #tpu.memory_space<semaphore_mem>>) src(%dma_wait3A_100 : memref<10000x128xf32, #tpu.memory_space<hbm>>) dst(%arg18 : memref<80x128xf32, #tpu.memory_space<vmem>>)
      %dma_start3A_101 = arith.constant 0 : i32
      %dma_start3A_102 = arith.constant 0 : i32
      %dma_start3A_103 = tpu.memref_slice %arg28[%dma_start3A_101, %dma_start3A_102] : memref<10000x128xf32, #tpu.memory_space<vmem_shared>> -> memref<10000x128xf32, #tpu.memory_space<vmem_shared>>
      tpu.enqueue_indirect_dma source(%arg18 : memref<80x128xf32, #tpu.memory_space<vmem>>) target(%dma_start3A_103 : memref<10000x128xf32, #tpu.memory_space<vmem_shared>>) offsets(%arg14 : memref<80xi32, #tpu.memory_space<vmem>>) semaphore(%arg27 : memref<!tpu.dma_semaphore, #tpu.memory_space<semaphore_mem>>) {add = true}
      %dma_wait3A_104 = arith.constant 0 : i32
      %dma_wait3A_105 = arith.constant 0 : i32
      %dma_wait3A_106 = tpu.memref_slice %arg28[%dma_wait3A_104, %dma_wait3A_105] : memref<10000x128xf32, #tpu.memory_space<vmem_shared>> -> memref<10000x128xf32, #tpu.memory_space<vmem_shared>>
      tpu.wait_indirect_dma semaphore(%arg24 : memref<!tpu.dma_semaphore, #tpu.memory_space<semaphore_mem>>) src(%arg15 : memref<80x128xf32, #tpu.memory_space<vmem>>) dst(%dma_wait3A_106 : memref<10000x128xf32, #tpu.memory_space<vmem_shared>>)
      %dma_wait3A_107 = arith.constant 0 : i32
      %dma_wait3A_108 = arith.constant 0 : i32
      %dma_wait3A_109 = tpu.memref_slice %arg28[%dma_wait3A_107, %dma_wait3A_108] : memref<10000x128xf32, #tpu.memory_space<vmem_shared>> -> memref<10000x128xf32, #tpu.memory_space<vmem_shared>>
      tpu.wait_indirect_dma semaphore(%arg25 : memref<!tpu.dma_semaphore, #tpu.memory_space<semaphore_mem>>) src(%arg16 : memref<80x128xf32, #tpu.memory_space<vmem>>) dst(%dma_wait3A_109 : memref<10000x128xf32, #tpu.memory_space<vmem_shared>>)
      %dma_wait3A_110 = arith.constant 0 : i32
      %dma_wait3A_111 = arith.constant 0 : i32
      %dma_wait3A_112 = tpu.memref_slice %arg28[%dma_wait3A_110, %dma_wait3A_111] : memref<10000x128xf32, #tpu.memory_space<vmem_shared>> -> memref<10000x128xf32, #tpu.memory_space<vmem_shared>>
      tpu.wait_indirect_dma semaphore(%arg26 : memref<!tpu.dma_semaphore, #tpu.memory_space<semaphore_mem>>) src(%arg17 : memref<80x128xf32, #tpu.memory_space<vmem>>) dst(%dma_wait3A_112 : memref<10000x128xf32, #tpu.memory_space<vmem_shared>>)
      %dma_wait3A_113 = arith.constant 0 : i32
      %dma_wait3A_114 = arith.constant 0 : i32
      %dma_wait3A_115 = tpu.memref_slice %arg28[%dma_wait3A_113, %dma_wait3A_114] : memref<10000x128xf32, #tpu.memory_space<vmem_shared>> -> memref<10000x128xf32, #tpu.memory_space<vmem_shared>>
      tpu.wait_indirect_dma semaphore(%arg27 : memref<!tpu.dma_semaphore, #tpu.memory_space<semaphore_mem>>) src(%arg18 : memref<80x128xf32, #tpu.memory_space<vmem>>) dst(%dma_wait3A_115 : memref<10000x128xf32, #tpu.memory_space<vmem_shared>>)
    }
    %scan3A_7 = arith.constant 31 : i32
    %mul3A_8 = arith.constant 10000 : i32
    %mul3A_9 = arith.muli %add3A, %mul3A_8 : i32
    %add3A_10 = arith.constant 9920 : i32
    %add3A_11 = arith.addi %mul3A_9, %add3A_10 : i32
    "tpu.region"() ({
      %run_scoped3A = tpu.sem_alloc : memref<!tpu.dma_semaphore, #tpu.memory_space<semaphore_mem>>
      %dma_start3A_22 = tpu.memref_slice %arg3[%add3A_11] : memref<320000xi32, #tpu.memory_space<hbm>> -> memref<80xi32, #tpu.memory_space<hbm>>
      %dma_start3A_23 = tpu.memref_slice %arg3[%add3A_11] : memref<320000xi32, #tpu.memory_space<hbm>> -> memref<80xi32, #tpu.memory_space<hbm>>
      tpu.enqueue_dma source(%dma_start3A_23 : memref<80xi32, #tpu.memory_space<hbm>>) target(%arg7 : memref<80xi32, #tpu.memory_space<vmem>>) target_semaphore(%run_scoped3A : memref<!tpu.dma_semaphore, #tpu.memory_space<semaphore_mem>>)
      %dma_wait3A_24 = tpu.memref_slice %arg3[%add3A_11] : memref<320000xi32, #tpu.memory_space<hbm>> -> memref<80xi32, #tpu.memory_space<hbm>>
      %dma_wait3A_25 = tpu.memref_slice %arg3[%add3A_11] : memref<320000xi32, #tpu.memory_space<hbm>> -> memref<80xi32, #tpu.memory_space<hbm>>
      tpu.wait_dma2 semaphore(%run_scoped3A : memref<!tpu.dma_semaphore, #tpu.memory_space<semaphore_mem>>) src(%dma_wait3A_25 : memref<80xi32, #tpu.memory_space<hbm>>) dst(%arg7 : memref<80xi32, #tpu.memory_space<vmem>>)
      tpu.yield
    }) : () -> ()
    "tpu.region"() ({
      %run_scoped3A = tpu.sem_alloc : memref<!tpu.dma_semaphore, #tpu.memory_space<semaphore_mem>>
      %dma_start3A_22 = tpu.memref_slice %arg4[%add3A_11] : memref<320000xi32, #tpu.memory_space<hbm>> -> memref<80xi32, #tpu.memory_space<hbm>>
      %dma_start3A_23 = tpu.memref_slice %arg4[%add3A_11] : memref<320000xi32, #tpu.memory_space<hbm>> -> memref<80xi32, #tpu.memory_space<hbm>>
      tpu.enqueue_dma source(%dma_start3A_23 : memref<80xi32, #tpu.memory_space<hbm>>) target(%arg11 : memref<80xi32, #tpu.memory_space<vmem>>) target_semaphore(%run_scoped3A : memref<!tpu.dma_semaphore, #tpu.memory_space<semaphore_mem>>)
      %dma_wait3A_24 = tpu.memref_slice %arg4[%add3A_11] : memref<320000xi32, #tpu.memory_space<hbm>> -> memref<80xi32, #tpu.memory_space<hbm>>
      %dma_wait3A_25 = tpu.memref_slice %arg4[%add3A_11] : memref<320000xi32, #tpu.memory_space<hbm>> -> memref<80xi32, #tpu.memory_space<hbm>>
      tpu.wait_dma2 semaphore(%run_scoped3A : memref<!tpu.dma_semaphore, #tpu.memory_space<semaphore_mem>>) src(%dma_wait3A_25 : memref<80xi32, #tpu.memory_space<hbm>>) dst(%arg11 : memref<80xi32, #tpu.memory_space<vmem>>)
      tpu.yield
    }) : () -> ()
    %dma_start3A = arith.constant 0 : i32
    %dma_start3A_12 = arith.constant 0 : i32
    %dma_start3A_13 = tpu.memref_slice %arg2[%dma_start3A, %dma_start3A_12] : memref<10000x128xf32, #tpu.memory_space<hbm>> -> memref<10000x128xf32, #tpu.memory_space<hbm>>
    tpu.enqueue_indirect_dma source(%dma_start3A_13 : memref<10000x128xf32, #tpu.memory_space<hbm>>) target(%arg15 : memref<80x128xf32, #tpu.memory_space<vmem>>) offsets(%arg7 : memref<80xi32, #tpu.memory_space<vmem>>) semaphore(%arg20 : memref<!tpu.dma_semaphore, #tpu.memory_space<semaphore_mem>>)
    %dma_wait3A = arith.constant 0 : i32
    %dma_wait3A_14 = arith.constant 0 : i32
    %dma_wait3A_15 = tpu.memref_slice %arg2[%dma_wait3A, %dma_wait3A_14] : memref<10000x128xf32, #tpu.memory_space<hbm>> -> memref<10000x128xf32, #tpu.memory_space<hbm>>
    tpu.wait_indirect_dma semaphore(%arg20 : memref<!tpu.dma_semaphore, #tpu.memory_space<semaphore_mem>>) src(%dma_wait3A_15 : memref<10000x128xf32, #tpu.memory_space<hbm>>) dst(%arg15 : memref<80x128xf32, #tpu.memory_space<vmem>>)
    "tpu.region"() ({
      %run_scoped3A = tpu.sem_alloc : memref<!tpu.dma_semaphore, #tpu.memory_space<semaphore_mem>>
      %dma_start3A_22 = arith.constant 0 : i32
      %dma_start3A_23 = arith.constant 0 : i32
      %dma_start3A_24 = tpu.memref_slice %arg28[%dma_start3A_22, %dma_start3A_23] : memref<10000x128xf32, #tpu.memory_space<vmem_shared>> -> memref<10000x128xf32, #tpu.memory_space<vmem_shared>>
      tpu.enqueue_indirect_dma source(%arg15 : memref<80x128xf32, #tpu.memory_space<vmem>>) target(%dma_start3A_24 : memref<10000x128xf32, #tpu.memory_space<vmem_shared>>) offsets(%arg11 : memref<80xi32, #tpu.memory_space<vmem>>) semaphore(%run_scoped3A : memref<!tpu.dma_semaphore, #tpu.memory_space<semaphore_mem>>) {add = true}
      %dma_wait3A_25 = arith.constant 0 : i32
      %dma_wait3A_26 = arith.constant 0 : i32
      %dma_wait3A_27 = tpu.memref_slice %arg28[%dma_wait3A_25, %dma_wait3A_26] : memref<10000x128xf32, #tpu.memory_space<vmem_shared>> -> memref<10000x128xf32, #tpu.memory_space<vmem_shared>>
      tpu.wait_indirect_dma semaphore(%run_scoped3A : memref<!tpu.dma_semaphore, #tpu.memory_space<semaphore_mem>>) src(%arg15 : memref<80x128xf32, #tpu.memory_space<vmem>>) dst(%dma_wait3A_27 : memref<10000x128xf32, #tpu.memory_space<vmem_shared>>)
      tpu.yield
    }) : () -> ()
    %barrier3A_16 = arith.constant 0 : index
    tpu.barrier barrier_id(%barrier3A_16)
    %lt3A_17 = arith.constant 10 : i32
    %lt3A_18 = arith.cmpi slt, %arg1, %lt3A_17 : i32
    %convert_element_type3A_19 = arith.extui %lt3A_18 : i1 to i32
    %cond3A_20 = arith.constant 0 : i32
    %cond3A_21 = arith.cmpi ne, %convert_element_type3A_19, %cond3A_20 : i32
    scf.if %cond3A_21 {
      %mul3A_22 = arith.constant 1000 : i32
      %mul3A_23 = arith.muli %arg1, %mul3A_22 : i32
      %mul3A_24 = arith.constant 1000 : i32
      %mul3A_25 = arith.muli %arg1, %mul3A_24 : i32
      "tpu.region"() ({
        %run_scoped3A = tpu.sem_alloc : memref<!tpu.dma_semaphore, #tpu.memory_space<semaphore_mem>>
        %dma_start3A_26 = arith.constant 0 : i32
        %dma_start3A_27 = tpu.memref_slice %arg6[%arg0, %mul3A_25, %dma_start3A_26] : memref<2x10000x128xf32, #tpu.memory_space<hbm>> -> memref<1x1000x128xf32, #tpu.memory_space<hbm>>
        %dma_start3A_28 = tpu.memref_squeeze %dma_start3A_27 : memref<1x1000x128xf32, #tpu.memory_space<hbm>> -> memref<1000x128xf32, #tpu.memory_space<hbm>>
        %dma_start3A_29 = arith.constant 0 : i32
        %dma_start3A_30 = tpu.memref_slice %arg28[%mul3A_23, %dma_start3A_29] : memref<10000x128xf32, #tpu.memory_space<vmem_shared>> -> memref<1000x128xf32, #tpu.memory_space<vmem_shared>>
        tpu.enqueue_dma source(%dma_start3A_30 : memref<1000x128xf32, #tpu.memory_space<vmem_shared>>) target(%dma_start3A_28 : memref<1000x128xf32, #tpu.memory_space<hbm>>) target_semaphore(%run_scoped3A : memref<!tpu.dma_semaphore, #tpu.memory_space<semaphore_mem>>)
        %dma_wait3A_31 = arith.constant 0 : i32
        %dma_wait3A_32 = tpu.memref_slice %arg6[%arg0, %mul3A_25, %dma_wait3A_31] : memref<2x10000x128xf32, #tpu.memory_space<hbm>> -> memref<1x1000x128xf32, #tpu.memory_space<hbm>>
        %dma_wait3A_33 = tpu.memref_squeeze %dma_wait3A_32 : memref<1x1000x128xf32, #tpu.memory_space<hbm>> -> memref<1000x128xf32, #tpu.memory_space<hbm>>
        %dma_wait3A_34 = arith.constant 0 : i32
        %dma_wait3A_35 = tpu.memref_slice %arg28[%mul3A_23, %dma_wait3A_34] : memref<10000x128xf32, #tpu.memory_space<vmem_shared>> -> memref<1000x128xf32, #tpu.memory_space<vmem_shared>>
        tpu.wait_dma2 semaphore(%run_scoped3A : memref<!tpu.dma_semaphore, #tpu.memory_space<semaphore_mem>>) src(%dma_wait3A_35 : memref<1000x128xf32, #tpu.memory_space<vmem_shared>>) dst(%dma_wait3A_33 : memref<1000x128xf32, #tpu.memory_space<hbm>>)
        tpu.yield
      }) : () -> ()
    } else {
    }
    return
  }
}

module attributes {stable_mosaic.version = 14 : i64} {
  func.func @_pre_body(%arg0: i32, %arg1: memref<1000x128xf32, #tpu.memory_space<vmem>>, %arg2: memref<128x128xf32, #tpu.memory_space<vmem>>, %arg3: memref<1000x128xf32, #tpu.memory_space<vmem>>, %arg4: memref<1000x128xf32, #tpu.memory_space<vmem>>, %arg5: memref<1000x128xf32, #tpu.memory_space<vmem>>) attributes {dimension_semantics = [#tpu.dimension_semantics<arbitrary>], iteration_bounds = array<i64: 10>, scalar_prefetch = 0 : i64, scratch_operands = 0 : i64, tpu.core_type = #tpu.core_type<tc>, window_params = [{transform_indices = @transform_0, window_bounds = array<i64: 1000, 128>}, {pipeline_mode = #tpu.pipeline_mode<synchronous>, transform_indices = @transform_1, window_bounds = array<i64: 128, 128>}, {transform_indices = @transform_2, window_bounds = array<i64: 1000, 128>}, {transform_indices = @transform_3, window_bounds = array<i64: 1000, 128>}, {transform_indices = @transform_4, window_bounds = array<i64: 1000, 128>}]} {
    %get3A = arith.constant 0 : index
    %get3A_0 = arith.constant 0 : index
    %get3A_1 = vector.load %arg3[%get3A, %get3A_0] : memref<1000x128xf32, #tpu.memory_space<vmem>>, vector<1000x1xf32>
    %get3A_2 = arith.constant 0 : index
    %get3A_3 = arith.constant 0 : index
    %get3A_4 = vector.load %arg4[%get3A_2, %get3A_3] : memref<1000x128xf32, #tpu.memory_space<vmem>>, vector<1000x1xf32>
    %add3A = arith.addf %get3A_1, %get3A_4 : vector<1000x1xf32>
    %add3A_5 = arith.constant 1.000000e+00 : f32
    %add3A_6 = vector.broadcast %add3A_5 : f32 to vector<1000x1xf32>
    %add3A_7 = arith.addf %add3A, %add3A_6 : vector<1000x1xf32>
    %rsqrt3A = math.rsqrt %add3A_7 : vector<1000x1xf32>
    %get3A_8 = arith.constant 0 : index
    %get3A_9 = arith.constant 0 : index
    %get3A_10 = vector.load %arg1[%get3A_8, %get3A_9] : memref<1000x128xf32, #tpu.memory_space<vmem>>, vector<1000x128xf32>
    %get3A_11 = arith.constant 0 : index
    %get3A_12 = arith.constant 0 : index
    %get3A_13 = vector.load %arg2[%get3A_11, %get3A_12] : memref<128x128xf32, #tpu.memory_space<vmem>>, vector<128x128xf32>
    %dot_general3A = arith.constant dense<0.000000e+00> : vector<1000x128xf32>
    %dot_general3A_14 = tpu.matmul %get3A_10, %get3A_13, %dot_general3A {dimension_numbers = #tpu.dot_dimension_numbers<[1], [0], [0], [1], [0, 0, 1, 1], [], []>, transpose_lhs_hint = false} : vector<1000x128xf32>, vector<128x128xf32>, vector<1000x128xf32> -> vector<1000x128xf32>
    %mul3A = vector.broadcast %rsqrt3A : vector<1000x1xf32> to vector<1000x128xf32>
    %mul3A_15 = arith.mulf %mul3A, %dot_general3A_14 : vector<1000x128xf32>
    %swap3A = arith.constant 0 : index
    %swap3A_16 = arith.constant 0 : index
    %swap3A_17 = vector.load %arg5[%swap3A, %swap3A_16] : memref<1000x128xf32, #tpu.memory_space<vmem>>, vector<1000x128xf32>
    tpu.vector_store %arg5[%swap3A, %swap3A_16], %mul3A_15 {strides = array<i32>} : memref<1000x128xf32, #tpu.memory_space<vmem>>, vector<1000x128xf32>,
    return
  }
  func.func @transform_0(%arg0: i32) -> (i32, i32) {
    %c0_i32 = arith.constant 0 : i32
    %c0_i32_0 = arith.constant 0 : i32
    return %arg0, %c0_i32 : i32, i32
  }
  func.func @transform_1(%arg0: i32) -> (i32, i32) {
    %c0_i32 = arith.constant 0 : i32
    %c0_i32_0 = arith.constant 0 : i32
    %c0_i32_1 = arith.constant 0 : i32
    return %c0_i32, %c0_i32_0 : i32, i32
  }
  func.func @transform_2(%arg0: i32) -> (i32, i32) {
    %c0_i32 = arith.constant 0 : i32
    %c0_i32_0 = arith.constant 0 : i32
    return %arg0, %c0_i32 : i32, i32
  }
  func.func @transform_3(%arg0: i32) -> (i32, i32) {
    %c0_i32 = arith.constant 0 : i32
    %c0_i32_0 = arith.constant 0 : i32
    return %arg0, %c0_i32 : i32, i32
  }
  func.func @transform_4(%arg0: i32) -> (i32, i32) {
    %c0_i32 = arith.constant 0 : i32
    %c0_i32_0 = arith.constant 0 : i32
    return %arg0, %c0_i32 : i32, i32
  }
}

module attributes {stable_mosaic.version = 14 : i64} {
  func.func @_mid_body(%arg0: i32, %arg1: memref<1000x128xf32, #tpu.memory_space<vmem>>, %arg2: memref<1000x128xf32, #tpu.memory_space<vmem>>, %arg3: memref<1000x128xf32, #tpu.memory_space<vmem>>, %arg4: memref<1000x128xf32, #tpu.memory_space<vmem>>, %arg5: memref<1000x128xf32, #tpu.memory_space<vmem>>, %arg6: memref<1x128xf32, #tpu.memory_space<vmem>>, %arg7: memref<128x128xf32, #tpu.memory_space<vmem>>, %arg8: memref<1000x128xf32, #tpu.memory_space<vmem>>) attributes {dimension_semantics = [#tpu.dimension_semantics<arbitrary>], iteration_bounds = array<i64: 10>, scalar_prefetch = 0 : i64, scratch_operands = 0 : i64, tpu.core_type = #tpu.core_type<tc>, window_params = [{transform_indices = @transform_0, window_bounds = array<i64: 1000, 128>}, {transform_indices = @transform_1, window_bounds = array<i64: 1000, 128>}, {transform_indices = @transform_2, window_bounds = array<i64: 1000, 128>}, {transform_indices = @transform_3, window_bounds = array<i64: 1000, 128>}, {transform_indices = @transform_4, window_bounds = array<i64: 1000, 128>}, {pipeline_mode = #tpu.pipeline_mode<synchronous>, transform_indices = @transform_5, window_bounds = array<i64: 1, 128>}, {pipeline_mode = #tpu.pipeline_mode<synchronous>, transform_indices = @transform_6, window_bounds = array<i64: 128, 128>}, {transform_indices = @transform_7, window_bounds = array<i64: 1000, 128>}]} {
    %get3A = arith.constant 0 : index
    %get3A_0 = arith.constant 0 : index
    %get3A_1 = vector.load %arg4[%get3A, %get3A_0] : memref<1000x128xf32, #tpu.memory_space<vmem>>, vector<1000x1xf32>
    %get3A_2 = arith.constant 0 : index
    %get3A_3 = arith.constant 0 : index
    %get3A_4 = vector.load %arg5[%get3A_2, %get3A_3] : memref<1000x128xf32, #tpu.memory_space<vmem>>, vector<1000x1xf32>
    %add3A = arith.addf %get3A_1, %get3A_4 : vector<1000x1xf32>
    %add3A_5 = arith.constant 1.000000e+00 : f32
    %add3A_6 = vector.broadcast %add3A_5 : f32 to vector<1000x1xf32>
    %add3A_7 = arith.addf %add3A, %add3A_6 : vector<1000x1xf32>
    %rsqrt3A = math.rsqrt %add3A_7 : vector<1000x1xf32>
    %get3A_8 = arith.constant 0 : index
    %get3A_9 = arith.constant 0 : index
    %get3A_10 = vector.load %arg1[%get3A_8, %get3A_9] : memref<1000x128xf32, #tpu.memory_space<vmem>>, vector<1000x128xf32>
    %get3A_11 = arith.constant 0 : index
    %get3A_12 = arith.constant 0 : index
    %get3A_13 = vector.load %arg2[%get3A_11, %get3A_12] : memref<1000x128xf32, #tpu.memory_space<vmem>>, vector<1000x128xf32>
    %add3A_14 = arith.addf %get3A_10, %get3A_13 : vector<1000x128xf32>
    %get3A_15 = arith.constant 0 : index
    %get3A_16 = arith.constant 0 : index
    %get3A_17 = vector.load %arg3[%get3A_15, %get3A_16] : memref<1000x128xf32, #tpu.memory_space<vmem>>, vector<1000x128xf32>
    %add3A_18 = arith.addf %add3A_14, %get3A_17 : vector<1000x128xf32>
    %mul3A = vector.broadcast %rsqrt3A : vector<1000x1xf32> to vector<1000x128xf32>
    %mul3A_19 = arith.mulf %mul3A, %add3A_18 : vector<1000x128xf32>
    %get3A_20 = arith.constant 0 : index
    %get3A_21 = arith.constant 0 : index
    %get3A_22 = vector.load %arg6[%get3A_20, %get3A_21] : memref<1x128xf32, #tpu.memory_space<vmem>>, vector<1x128xf32>
    %add3A_23 = vector.broadcast %get3A_22 : vector<1x128xf32> to vector<1000x128xf32>
    %add3A_24 = arith.addf %mul3A_19, %add3A_23 : vector<1000x128xf32>
    %max3A = arith.constant 0.000000e+00 : f32
    %max3A_25 = vector.broadcast %max3A : f32 to vector<1000x128xf32>
    %max3A_26 = arith.maximumf %add3A_24, %max3A_25 : vector<1000x128xf32>
    %get3A_27 = arith.constant 0 : index
    %get3A_28 = arith.constant 0 : index
    %get3A_29 = vector.load %arg7[%get3A_27, %get3A_28] : memref<128x128xf32, #tpu.memory_space<vmem>>, vector<128x128xf32>
    %dot_general3A = arith.constant dense<0.000000e+00> : vector<1000x128xf32>
    %dot_general3A_30 = tpu.matmul %max3A_26, %get3A_29, %dot_general3A {dimension_numbers = #tpu.dot_dimension_numbers<[1], [0], [0], [1], [0, 0, 1, 1], [], []>, transpose_lhs_hint = false} : vector<1000x128xf32>, vector<128x128xf32>, vector<1000x128xf32> -> vector<1000x128xf32>
    %mul3A_31 = vector.broadcast %rsqrt3A : vector<1000x1xf32> to vector<1000x128xf32>
    %mul3A_32 = arith.mulf %mul3A_31, %dot_general3A_30 : vector<1000x128xf32>
    %swap3A = arith.constant 0 : index
    %swap3A_33 = arith.constant 0 : index
    %swap3A_34 = vector.load %arg8[%swap3A, %swap3A_33] : memref<1000x128xf32, #tpu.memory_space<vmem>>, vector<1000x128xf32>
    tpu.vector_store %arg8[%swap3A, %swap3A_33], %mul3A_32 {strides = array<i32>} : memref<1000x128xf32, #tpu.memory_space<vmem>>, vector<1000x128xf32>,
    return
  }
  func.func @transform_0(%arg0: i32) -> (i32, i32) {
    %c0_i32 = arith.constant 0 : i32
    %c0_i32_0 = arith.constant 0 : i32
    return %arg0, %c0_i32 : i32, i32
  }
  func.func @transform_1(%arg0: i32) -> (i32, i32) {
    %c0_i32 = arith.constant 0 : i32
    %c0_i32_0 = arith.constant 0 : i32
    return %arg0, %c0_i32 : i32, i32
  }
  func.func @transform_2(%arg0: i32) -> (i32, i32) {
    %c0_i32 = arith.constant 0 : i32
    %c0_i32_0 = arith.constant 0 : i32
    return %arg0, %c0_i32 : i32, i32
  }
  func.func @transform_3(%arg0: i32) -> (i32, i32) {
    %c0_i32 = arith.constant 0 : i32
    %c0_i32_0 = arith.constant 0 : i32
    return %arg0, %c0_i32 : i32, i32
  }
  func.func @transform_4(%arg0: i32) -> (i32, i32) {
    %c0_i32 = arith.constant 0 : i32
    %c0_i32_0 = arith.constant 0 : i32
    return %arg0, %c0_i32 : i32, i32
  }
  func.func @transform_5(%arg0: i32) -> (i32, i32) {
    %c0_i32 = arith.constant 0 : i32
    %c0_i32_0 = arith.constant 0 : i32
    %c0_i32_1 = arith.constant 0 : i32
    return %c0_i32, %c0_i32_0 : i32, i32
  }
  func.func @transform_6(%arg0: i32) -> (i32, i32) {
    %c0_i32 = arith.constant 0 : i32
    %c0_i32_0 = arith.constant 0 : i32
    %c0_i32_1 = arith.constant 0 : i32
    return %c0_i32, %c0_i32_0 : i32, i32
  }
  func.func @transform_7(%arg0: i32) -> (i32, i32) {
    %c0_i32 = arith.constant 0 : i32
    %c0_i32_0 = arith.constant 0 : i32
    return %arg0, %c0_i32 : i32, i32
  }
}

module attributes {stable_mosaic.version = 14 : i64} {
  func.func @_post_body(%arg0: i32, %arg1: memref<1000x128xf32, #tpu.memory_space<vmem>>, %arg2: memref<1000x128xf32, #tpu.memory_space<vmem>>, %arg3: memref<1000x128xf32, #tpu.memory_space<vmem>>, %arg4: memref<1000x128xf32, #tpu.memory_space<vmem>>, %arg5: memref<1000x128xf32, #tpu.memory_space<vmem>>, %arg6: memref<1x128xf32, #tpu.memory_space<vmem>>, %arg7: memref<1000x128xf32, #tpu.memory_space<vmem>>) attributes {dimension_semantics = [#tpu.dimension_semantics<arbitrary>], iteration_bounds = array<i64: 10>, scalar_prefetch = 0 : i64, scratch_operands = 0 : i64, tpu.core_type = #tpu.core_type<tc>, window_params = [{transform_indices = @transform_0, window_bounds = array<i64: 1000, 128>}, {transform_indices = @transform_1, window_bounds = array<i64: 1000, 128>}, {transform_indices = @transform_2, window_bounds = array<i64: 1000, 128>}, {transform_indices = @transform_3, window_bounds = array<i64: 1000, 128>}, {transform_indices = @transform_4, window_bounds = array<i64: 1000, 128>}, {pipeline_mode = #tpu.pipeline_mode<synchronous>, transform_indices = @transform_5, window_bounds = array<i64: 1, 128>}, {transform_indices = @transform_6, window_bounds = array<i64: 1000, 128>}]} {
    %get3A = arith.constant 0 : index
    %get3A_0 = arith.constant 0 : index
    %get3A_1 = vector.load %arg4[%get3A, %get3A_0] : memref<1000x128xf32, #tpu.memory_space<vmem>>, vector<1000x1xf32>
    %get3A_2 = arith.constant 0 : index
    %get3A_3 = arith.constant 0 : index
    %get3A_4 = vector.load %arg5[%get3A_2, %get3A_3] : memref<1000x128xf32, #tpu.memory_space<vmem>>, vector<1000x1xf32>
    %add3A = arith.addf %get3A_1, %get3A_4 : vector<1000x1xf32>
    %add3A_5 = arith.constant 1.000000e+00 : f32
    %add3A_6 = vector.broadcast %add3A_5 : f32 to vector<1000x1xf32>
    %add3A_7 = arith.addf %add3A, %add3A_6 : vector<1000x1xf32>
    %rsqrt3A = math.rsqrt %add3A_7 : vector<1000x1xf32>
    %get3A_8 = arith.constant 0 : index
    %get3A_9 = arith.constant 0 : index
    %get3A_10 = vector.load %arg1[%get3A_8, %get3A_9] : memref<1000x128xf32, #tpu.memory_space<vmem>>, vector<1000x128xf32>
    %get3A_11 = arith.constant 0 : index
    %get3A_12 = arith.constant 0 : index
    %get3A_13 = vector.load %arg2[%get3A_11, %get3A_12] : memref<1000x128xf32, #tpu.memory_space<vmem>>, vector<1000x128xf32>
    %add3A_14 = arith.addf %get3A_10, %get3A_13 : vector<1000x128xf32>
    %get3A_15 = arith.constant 0 : index
    %get3A_16 = arith.constant 0 : index
    %get3A_17 = vector.load %arg3[%get3A_15, %get3A_16] : memref<1000x128xf32, #tpu.memory_space<vmem>>, vector<1000x128xf32>
    %add3A_18 = arith.addf %add3A_14, %get3A_17 : vector<1000x128xf32>
    %mul3A = vector.broadcast %rsqrt3A : vector<1000x1xf32> to vector<1000x128xf32>
    %mul3A_19 = arith.mulf %mul3A, %add3A_18 : vector<1000x128xf32>
    %get3A_20 = arith.constant 0 : index
    %get3A_21 = arith.constant 0 : index
    %get3A_22 = vector.load %arg6[%get3A_20, %get3A_21] : memref<1x128xf32, #tpu.memory_space<vmem>>, vector<1x128xf32>
    %add3A_23 = vector.broadcast %get3A_22 : vector<1x128xf32> to vector<1000x128xf32>
    %add3A_24 = arith.addf %mul3A_19, %add3A_23 : vector<1000x128xf32>
    %swap3A = arith.constant 0 : index
    %swap3A_25 = arith.constant 0 : index
    %swap3A_26 = vector.load %arg7[%swap3A, %swap3A_25] : memref<1000x128xf32, #tpu.memory_space<vmem>>, vector<1000x128xf32>
    tpu.vector_store %arg7[%swap3A, %swap3A_25], %add3A_24 {strides = array<i32>} : memref<1000x128xf32, #tpu.memory_space<vmem>>, vector<1000x128xf32>,
    return
  }
  func.func @transform_0(%arg0: i32) -> (i32, i32) {
    %c0_i32 = arith.constant 0 : i32
    %c0_i32_0 = arith.constant 0 : i32
    return %arg0, %c0_i32 : i32, i32
  }
  func.func @transform_1(%arg0: i32) -> (i32, i32) {
    %c0_i32 = arith.constant 0 : i32
    %c0_i32_0 = arith.constant 0 : i32
    return %arg0, %c0_i32 : i32, i32
  }
  func.func @transform_2(%arg0: i32) -> (i32, i32) {
    %c0_i32 = arith.constant 0 : i32
    %c0_i32_0 = arith.constant 0 : i32
    return %arg0, %c0_i32 : i32, i32
  }
  func.func @transform_3(%arg0: i32) -> (i32, i32) {
    %c0_i32 = arith.constant 0 : i32
    %c0_i32_0 = arith.constant 0 : i32
    return %arg0, %c0_i32 : i32, i32
  }
  func.func @transform_4(%arg0: i32) -> (i32, i32) {
    %c0_i32 = arith.constant 0 : i32
    %c0_i32_0 = arith.constant 0 : i32
    return %arg0, %c0_i32 : i32, i32
  }
  func.func @transform_5(%arg0: i32) -> (i32, i32) {
    %c0_i32 = arith.constant 0 : i32
    %c0_i32_0 = arith.constant 0 : i32
    %c0_i32_1 = arith.constant 0 : i32
    return %c0_i32, %c0_i32_0 : i32, i32
  }
  func.func @transform_6(%arg0: i32) -> (i32, i32) {
    %c0_i32 = arith.constant 0 : i32
    %c0_i32_0 = arith.constant 0 : i32
    return %arg0, %c0_i32 : i32, i32
  }
}

</mosaic_0001>

<sc_bundles>
// kernel: kernel.11.cloned.1.call-start
scs
__scs_entry_jumppad:
0x0: {  	(pc) =	sbr.rel $0x88, $3  }
0x1: {  	(tag) =	ssettag $0x0;
	lr =	simm.s32 $0x1  }
0x2: {  	[smem:$0x3F9B] =	sst lr;
	_ =	strace $0xD0000000  }
0x3: {  	_ = 	snop  }
0x4: {  	_ = 	snop  }
0x5: {  	_ = 	snop  }
0x6: {  	_ = 	snop  }
0x7: {  	_ = 	snop  }
__scs_overlays_trampoline_lowered:
0x8: {  	[smem:$0x3FAA] =	sst s0  }
0x9: {  	[smem:$0x3FAB] =	sst s1  }
0xa: {  	[smem:$0x3FAC] =	sst s2  }
0xb: {  	[smem:$0x3FAD] =	sst s3  }
0xc: {  	[smem:$0x3FAE] =	sst s4  }
0xd: {  	[smem:$0x3FAF] =	sst s5  }
0xe: {  	[smem:$0x3FB0] =	sst s6  }
0xf: {  	[smem:$0x3FB1] =	sst s7  }
0x10: {  	[smem:$0x3FB2] =	sst s8  }
0x11: {  	[smem:$0x3FB3] =	sst s9;
	s0 =	simm.s32 @!p0 $0x0  }
0x12: {  	s1 =	sld [smem:$0x3F99];
	s0 =	simm.s32 @p0 $0x1  }
0x13: {  	[smem:$0x3FB4] =	sst s0;
	s0 =	simm.s32 @!p1 $0x0  }
0x14: {  	s2 =	sld [smem:$0x3F98];
	s0 =	simm.s32 @p1 $0x1  }
0x15: {  	[smem:$0x3FB5] =	sst s0;
	s0 =	simm.s32 @!p2 $0x0  }
0x16: {  	s3 =	sld [smem:$0x3FDB];
	s0 =	simm.s32 @p2 $0x1  }
0x17: {  	s4 =	simm.s32 $0x1BF5;
	[smem:$0x3FB7] =	sst s0  }
0x18: {  	s0 =	sld [smem:$0x3F9A];
	_ =	swait.ge [sflag:s4], $0x0  }
0x19: {  	s7 =	sld [smem:$0x3F9B]  }
0x1a: {  	s8 =	sadd.s32 $0xFFFFE003, lr  }
0x1b: {  	s9 =	sadd.s32 $0xFFFFFEF7, lr;
	s5 =	simm.s32 $0xFFFFFFFF;
	p2 =	slt.u32 s8, $0xFFFFF086  }
0x1c: {  	p1 =	slt.u32 s9, $0xF7A;
	s5 =	simm.s32 @!p2 $0x0  }
0x1d: {  	s5 =	simm.s32 @p1 $0x1;
	p0 =	seq.s32 s7, s2  }
0x1e: {  	s7 =	smul.u32 @!p0 $0xF7A, s2;
	p2 =	seq.s32 @!p0 s5, $0x0  }
0x1f: {  	s9 =	smul.u32 $0xF7A, s1;
	s8 =	simm.s32 @!p0 $0x1BF5;
	p2 =	por !p2, p0  }
0x20: {  	[sflag:s8] =	ssyncset.s32 @!p0 $0xFFFFF086;
	s6 =	sadd.s32 @!p0 s3, s7;
	s7 =	simm.s32 @!p0 $0x108  }
0x21: {  	s3 =	sadd.s32 s3, s9;
	s6 =	sadd.s32 @!p0 $0x88, s6;
	s7 =	simm.s32 @p2 $0x1082  }
0x22: {  	[simem:s7], [sflag:s8] =	dma.local @!p0 [hbm:s6], $0xF7A  }
0x23: {  	s9 =	sor.u32 $0xD0000000, s2;
	s6 =	simm.s32 $0x108;
	_ =	swait.ge @!p0 [sflag:s8], $0x0  }
0x24: {  	s3 =	sadd.s32 $0x88, s3;
	s6 =	simm.s32 @!p1 $0x1082;
	[sflag:s4] =	ssyncset.s32 $0xFFFFF086  }
0x25: {  	[simem:s6], [sflag:s4] =	dma.local [hbm:s3], $0xF7A  }
0x26: {  	[smem:$0x3F9B] =	sst s1;
	(tag) =	ssettag s2;
	_ =	strace s9  }
0x27: {  	s1 =	sld [smem:$0x3FAB]  }
0x28: {  	s2 =	sld [smem:$0x3FAC]  }
0x29: {  	s4 =	sld [smem:$0x3FAE]  }
0x2a: {  	p0 =	seq.s32 s5, $0x0;
	s5 =	sld [smem:$0x3FAF]  }
0x2b: {  	s6 =	sld [smem:$0x3FB0]  }
0x2c: {  	s7 =	sld [smem:$0x3FB1]  }
0x2d: {  	s3 =	simm.s32 $0x108;
	s8 =	sld [smem:$0x3FB2]  }
0x2e: {  	s3 =	simm.s32 @!p0 $0x1082;
	s9 =	sld [smem:$0x3FB3]  }
0x2f: {  	lr =	sadd.s32 s0, s3;
	s0 =	sld [smem:$0x3FAA]  }
0x30: {  	s3 =	sld [smem:$0x3FAD]  }
0x31: {  	[smem:$0x3FB6] =	sst s10  }
0x32: {  	s10 =	sld [smem:$0x3FB4];
	_ =	sdelay $0x3  }
0x33: {  	p0 =	seq.s32 s10, $0x1;
	s10 =	sld [smem:$0x3FB6];
	_ =	sdelay $0x3  }
0x34: {  	[smem:$0x3FB6] =	sst s10  }
0x35: {  	s10 =	sld [smem:$0x3FB5];
	_ =	sdelay $0x3  }
0x36: {  	p1 =	seq.s32 s10, $0x1;
	s10 =	sld [smem:$0x3FB6];
	_ =	sdelay $0x3  }
0x37: {  	[smem:$0x3FB6] =	sst s10  }
0x38: {  	s10 =	sld [smem:$0x3FB7]  }
0x39: {  	_ = 	snop;
	(pc) =	sbr.ind lr, $3  }
0x3a: {  	_ = 	snop  }
0x3b: {  	_ = 	snop  }
0x3c: {  	p2 =	seq.s32 s10, $0x1;
	s10 =	sld [smem:$0x3FB6]  }
0x3d: {  	_ =	shalt  }
0x3e: {  	_ =	shalt  }
0x3f: {  	_ =	shalt  }
0x40: {  	_ =	shalt  }
0x41: {  	_ =	shalt  }
0x42: {  	_ =	shalt  }
0x43: {  	_ =	shalt  }
0x44: {  	_ =	shalt  }
0x45: {  	_ =	shalt  }
0x46: {  	_ =	shalt  }
0x47: {  	_ =	shalt  }
0x48: {  	_ =	shalt  }
0x49: {  	_ =	shalt  }
0x4a: {  	_ =	shalt  }
0x4b: {  	_ =	shalt  }
0x4c: {  	_ =	shalt  }
0x4d: {  	_ =	shalt  }
0x4e: {  	_ =	shalt  }
0x4f: {  	_ =	shalt  }
0x50: {  	_ =	shalt  }
0x51: {  	_ =	shalt  }
0x52: {  	_ =	shalt  }
0x53: {  	_ =	shalt  }
0x54: {  	_ =	shalt  }
0x55: {  	_ =	shalt  }
0x56: {  	_ =	shalt  }
0x57: {  	_ =	shalt  }
0x58: {  	_ =	shalt  }
0x59: {  	_ =	shalt  }
0x5a: {  	_ =	shalt  }
0x5b: {  	_ =	shalt  }
0x5c: {  	_ =	shalt  }
0x5d: {  	_ =	shalt  }
0x5e: {  	_ =	shalt  }
0x5f: {  	_ =	shalt  }
0x60: {  	_ =	shalt  }
0x61: {  	_ =	shalt  }
0x62: {  	_ =	shalt  }
0x63: {  	_ =	shalt  }
0x64: {  	_ =	shalt  }
0x65: {  	_ =	shalt  }
0x66: {  	_ =	shalt  }
0x67: {  	_ =	shalt  }
0x68: {  	_ =	shalt  }
0x69: {  	_ =	shalt  }
0x6a: {  	_ =	shalt  }
0x6b: {  	_ =	shalt  }
0x6c: {  	_ =	shalt  }
0x6d: {  	_ =	shalt  }
0x6e: {  	_ =	shalt  }
0x6f: {  	_ =	shalt  }
0x70: {  	_ =	shalt  }
0x71: {  	_ =	shalt  }
0x72: {  	_ =	shalt  }
0x73: {  	_ =	shalt  }
0x74: {  	_ =	shalt  }
0x75: {  	_ =	shalt  }
0x76: {  	_ =	shalt  }
0x77: {  	_ =	shalt  }
0x78: {  	_ =	shalt  }
0x79: {  	_ =	shalt  }
0x7a: {  	_ =	shalt  }
0x7b: {  	_ =	shalt  }
0x7c: {  	_ =	shalt  }
0x7d: {  	_ =	shalt  }
0x7e: {  	_ =	shalt  }
0x7f: {  	_ =	shalt  }
0x80: {  	_ =	shalt  }
0x81: {  	_ =	shalt  }
0x82: {  	_ =	shalt  }
0x83: {  	_ =	shalt  }
0x84: {  	_ =	shalt  }
0x85: {  	_ =	shalt  }
0x86: {  	_ =	shalt  }
0x87: {  	_ =	shalt  }
.Lfunc_end0:
.L_simem_size_0:
called_computation.1_lowered:
.L_overlay_start_0:
0x88: {  	s2 =	sld [smem:$0x3FD9]  }
0x89: {  	s3 =	sld [smem:$0x3FFE];
	_ =	sdelay $0x1  }
0x8a: {  	s1 =	srdreg.scid  }
0x8b: {  	s0 =	sand.u32 $0x1, s1  }
0x8c: {  	s17 =	sshll.u32 s0, $0xA;
	s2 =	sadd.s32 s3, s2  }
0x8d: {  	s2 =	sadd.s32 s2, s17  }
0x8e: {  	[smem:$0x3FC2] =	sst s2  }
0x8f: {  	_ = 	snop  }
0x90: {  	s2 =	sld [smem:$0x3FD0];
	(tm) =	ssettm $0x1  }
0x91: {  	s18 =	sld [smem:$0x3FFB];
	_ =	sdelay $0x3  }
0x92: {  	_ =	strace s18  }
0x93: {  	s3 =	sld [smem:$0x3FFC];
	_ =	sdelay $0x3  }
0x94: {  	_ =	strace s3  }
0x95: {  	s3 =	sld [smem:$0x3FFD];
	_ =	sdelay $0x3  }
0x96: {  	_ =	strace s3  }
0x97: {  	_ =	strace $0x8FFFFFFF  }
0x98: {  	s19 =	sld [smem:$0x3FDB];
	_ =	sdelay $0x1  }
0x99: {  	s4 =	simm.s32 $_scs_section_size  }
0x9a: {  	s5 =	simm.s32 $_size__tile_overlayer_lowered;
	s6 =	simm.s32 $_tile_overlayer_lowered  }
0x9b: {  	s22 =	simm.s32 $0x1BFF;
	s21 =	sshll.u32 s6, $0x1;
	s3 =	sadd.s32 s4, s19  }
0x9c: {  	s7 =	simm.s32 $0x0;
	s20 =	sshll.u32 s5, $0x1;
	s5 =	sadd.s32 s21, s3  }
0x9d: {  	[timem:s7], [sflag:s22] =	dma.local [hbm:s5], s20  }
0x9e: {  	_ =	swait.ge [sflag:s22], s20  }
0x9f: {  	s4 =	ssub.s32 $0x0, s20;
	[sflag:s22] =	ssyncset.done $0x0  }
0xa0: {  	[sflag:s22] =	ssyncadd.s32 s4;
	_ =	sdelay $0x1  }
0xa1: {  	s23 =	simm.s32 $0x1B8B  }
0xa2: {  	_ =	swait.ge [sflag:s23], $0x1  }
0xa3: {  	[sflag:s23] =	ssyncset.done $0x0  }
0xa4: {  	s25 =	simm.s32 $0x1B8E;
	s24 =	sld [smem:$0x3FFE];
	[sflag:s23] =	ssyncadd.s32 $0xFFFFFFFF  }
0xa5: {  	s26 =	simm.s32 $execute0_lowered;
	[smem:$0x3FD2] =	sst s25  }
0xa6: {  	s5 =	sshll.u32 s26, $0x1;
	_ =	strace $0x80000049;
	[dreg:$0x1] =	wrdreg $0xFFFFFFFF  }
0xa7: {  	s28 =	simm.s32 $_size_execute0_lowered;
	s3 =	sadd.s32 s3, s5;
	[dreg:$0x0] =	wrdreg $0x0  }
0xa8: {  	s5 =	sshll.u32 s28, $0x1;
	[dreg:$0x2] =	wrdreg s3  }
0xa9: {  	[dreg:$0x3] =	wrdreg s5  }
0xaa: {  	[dreg:$0x4] =	wrdreg $0xC0  }
0xab: {  	_ =	task [dreg:s7], $0x5FFFF  }
0xac: {  	[dreg:$0x1] =	wrdreg $0xFFFFFFFF  }
0xad: {  	[dreg:$0x0] =	wrdreg $0x60  }
0xae: {  	[dreg:$0x2] =	wrdreg s2  }
0xaf: {  	[dreg:$0x3] =	wrdreg s24  }
0xb0: {  	[dreg:$0x4] =	wrdreg $0xA4000  }
0xb1: {  	[dreg:$0x5] =	wrdreg $0x9  }
0xb2: {  	_ =	task.clear_ibuf [dreg:s7], $0x6FFFF;
	_ =	strace $0x90000049  }
0xb3: {  	s29 =	simm.s32 $0x9;
	_ =	strace $0x8000004B  }
0xb4: {  	_ =	swait.ge [sflag:s29], $0x1  }
0xb5: {  	[sflag:s29] =	ssyncadd.s32 $0xFFFFFFFF  }
0xb6: {  	_ =	strace $0x9000004B  }
0xb7: {  	_ =	sfence  }
0xb8: {  	s30 =	sld [smem:$0x0];
	_ =	sdelay $0x2  }
0xb9: {  	s31 =	sshll.u32 s1, $0xD;
	s1 =	sshrl.u32 s1, $0x2  }
0xba: {  	s3 =	sand.u32 $0x4000, s31;
	s1 =	sadd.s32 s1, s30  }
0xbb: {  	s0 =	sor.u32 s3, s0;
	s1 =	sshll.u32 s1, $0x11  }
0xbc: {  	s0 =	sor.u32 s1, s0  }
0xbd: {  	s0 =	sadd.s32 $0x8F2B, s0  }
0xbe: {  	[sflag:s0] =	ssyncadd.remote.s32 $0x1  }
0xbf: {  	_ =	sfence.sel $0xFFFF  }
0xc0: {  	[dreg:$0x0] =	wrdreg $0xFFFFFFFF;
	(pc) =	sbr.abs _section_cstart, $3  }
0xc1: {  	[dreg:$0x1] =	wrdreg $0xFFFFFFFF  }
0xc2: {  	_ =	task.clear_ibuf [dreg:s7], $0x2FFFF;
	_ =	strace $0x9FFFFFFF  }
0xc3: {  	(tm) =	ssettm $0x7FFFFFFF  }
tec
execute0_lowered:
.L_overlay_start_1:
0x0: {  	(tag) =	ssettag $0x1  }
0x1: {  	s1 =	rddreg [dreg:$0x0]  }
0x2: {  	s0 =	rddreg [dreg:$0x1]  }
0x3: {  	s2 =	rddreg [dreg:$0x2]  }
0x4: {  	s4 =	simm.s32 $0x0;
	s3 =	srdreg.scid;
	s13 =	stileid.u32  }
0x5: {  	s28 =	simm.s32 $0x4;
	s29 =	simm.s32 $0x5;
	s30 =	simm.s32 $0x6  }
0x6: {  	[smem:$0x7FF] =	sst s4;
	s3 =	sand.u32 $0x1, s3;
	s6 =	smul.u32 $0x1F400, s13  }
0x7: {  	s8 =	sadd.s32 $0x3400, s0;
	s9 =	smul.u32 $0x7D000, s13;
	s10 =	sadd.s32 $0xD200, s0  }
0x8: {  	s11 =	sadd.s32 $0x17000, s0;
	s12 =	smul.u32 $0x2710, s13;
	p0 =	sgt.u32 s13, $0x9  }
0x9: {  	s31 =	simm.s32 $0x7;
	s5 =	smul.u32 $0x138800, s3;
	_ =	strace $0x8000004A  }
0xa: {  	s7 =	sshll.u32 s3, $0x4;
	[dreg:$0xc] =	wrdreg s11;
	s24 =	ssub.s32 $0x2, s3  }
0xb: {  	s3 =	smul.u32 $0x27100, s3;
	s7 =	sor.u32 s13, s7;
	s25 =	sshrl.u32 s24, $0x1  }
0xc: {  	s9 =	sshrl.u32 s9, $0x2;
	s7 =	smul.u32 $0x2710, s7;
	s5 =	sadd.s32 s6, s5  }
0xd: {  	s26 =	ssub.s32 s24, s25;
	s3 =	sadd.s32 s12, s3;
	s5 =	sshrl.u32 s5, $0x3  }
0xe: {  	s12 =	sshrl.u32 s3, $0x3;
	s15 =	sadd.s32 $0xF0, s3;
	s19 =	sadd.s32 $0xA0, s3  }
0xf: {  	s3 =	sadd.s32 $0x50, s3;
	s26 =	smax.u32 s26, $0x1;
	s0 =	sadd.s32 s5, s0  }
0x10: {  	s7 =	sshrl.u32 s7, $0x3;
	s14 =	sadd.s32 s12, s10;
	s16 =	sadd.s32 s12, s8  }
0x11: {  	s17 =	sshrl.u32 s15, $0x3;
	s21 =	sshrl.u32 s19, $0x3;
	s3 =	sshrl.u32 s3, $0x3  }
0x12: {  	[dreg:$0x11] =	wrdreg s26;
	s12 =	simm.s32 $0x200;
	s15 =	simm.s32 $0x100  }
0x13: {  	s19 =	simm.s32 $0x1;
	s26 =	simm.s32 $0x3;
	[dreg:$0x4] =	wrdreg s14  }
0x14: {  	s6 =	sadd.s32 $0x4D8, s7;
	s7 =	sadd.s32 s9, s2;
	[dreg:$0x5] =	wrdreg s16  }
0x15: {  	s18 =	sadd.s32 s17, s10;
	s20 =	sadd.s32 s17, s8;
	[dreg:$0xd] =	wrdreg s7  }
0x16: {  	s22 =	sadd.s32 s21, s10;
	s23 =	sadd.s32 s21, s8;
	[dreg:$0x6] =	wrdreg s18  }
0x17: {  	s0 =	sadd.s32 $0x69400, s0;
	s24 =	sadd.s32 s3, s10;
	[dreg:$0x7] =	wrdreg s20  }
0x18: {  	s25 =	sadd.s32 s3, s8;
	s14 =	simm.s32 $0x280;
	[dreg:$0x8] =	wrdreg s22  }
0x19: {  	s16 =	simm.s32 $0x300;
	s17 =	simm.s32 $0x180;
	[dreg:$0x10] =	wrdreg s0  }
0x1a: {  	s21 =	simm.s32 $0x400;
	s3 =	simm.s32 $0x9;
	[dreg:$0x9] =	wrdreg s23  }
0x1b: {  	s11 =	sadd.s32 s8, s6;
	s6 =	sadd.s32 s10, s6;
	[dreg:$0xa] =	wrdreg s24  }
0x1c: {  	[dreg:$0xb] =	wrdreg s25;
	s0 =	sshll.u32 @!p0 s13, $0x6;
	s13 =	simm.s32 $0x80  }
0x1d: {  	s18 =	simm.s32 $0x380;
	s20 =	simm.s32 $0x50;
	s22 =	simm.s32 $0x2C00  }
0x1e: {  	s23 =	simm.s32 $0x5400;
	s24 =	simm.s32 $0x7C00;
	[dreg:$0xe] =	wrdreg s11  }
0x1f: {  	s25 =	simm.s32 $0x2;
	[dreg:$0xf] =	wrdreg s6;
	s8 =	sor.u32 @!p0 $0x1C0A, s0  }
0x20: {  	s0 =	simm.s32 $0x8;
	s6 =	simm.s32 $0x0;
	[dreg:$0x12] =	wrdreg s8  }
.LBB2_1:
0x21: {  	s5 =	rddreg [dreg:$0xd]  }
0x22: {  	s7 =	sshrl.u32 @!p0 s5, $0x3;
	s5 =	rddreg [dreg:$0xc]  }
0x23: {  	[dreg:$0x13] =	wrdreg s7  }
0x24: {  	[spmem:s7], [sflag:s8] =	dma.local @!p0 [hbm:s5], $0x3E80  }
0x25: {  	s8 =	simm.s32 @!p0 $0xA  }
0x26: {  	_ =	swait.ge @!p0 [sflag:s8], $0x3E80  }
0x27: {  	[sflag:s8] =	ssyncset.done @!p0 $0x0  }
0x28: {  	[sflag:s8] =	ssyncadd.s32 @!p0 $0xFFFFC180  }
0x29: {  	[bflag:$0x0] =	sbarrier.arrive $0xFFFF  }
0x2a: {  	s11 =	rddreg [dreg:$0x5]  }
0x2b: {  	s9 =	rddreg [dreg:$0x4];
	s8 =	sadd.s32 $0x0, s11  }
0x2c: {  	[tilespmem:s4], [sflag:$0x1] =	stream.linear.gather [hbm4b:s8+s4], $0x50, $0x38;
	[tilespmem:$0x1DC80] =	vst v63  }
0x2d: {  	s10 =	rddreg [dreg:$0xb];
	s5 =	sadd.s32 $0x0, s9  }
0x2e: {  	[tilespmem:s12], [sflag:$0x1] =	stream.linear.gather [hbm4b:s5+s4], $0x50, $0x38;
	[tilespmem:$0x1DC80] =	vst v63  }
0x2f: {  	s7 =	rddreg [dreg:$0xa];
	s10 =	sadd.s32 $0x0, s10  }
0x30: {  	[tilespmem:s13], [sflag:$0x1] =	stream.linear.gather [hbm4b:s10+s4], $0x50, $0x38;
	[tilespmem:$0x1DC80] =	vst v63  }
0x31: {  	s11 =	rddreg [dreg:$0x9];
	s5 =	sadd.s32 $0x0, s7  }
0x32: {  	[tilespmem:s14], [sflag:$0x1] =	stream.linear.gather [hbm4b:s5+s4], $0x50, $0x38;
	[tilespmem:$0x1DC80] =	vst v63  }
0x33: {  	s7 =	rddreg [dreg:$0x8];
	s10 =	sadd.s32 $0x0, s11  }
0x34: {  	[tilespmem:s15], [sflag:$0x1] =	stream.linear.gather [hbm4b:s10+s4], $0x50, $0x38;
	[tilespmem:$0x1DC80] =	vst v63  }
0x35: {  	s11 =	rddreg [dreg:$0x7];
	s5 =	sadd.s32 $0x0, s7  }
0x36: {  	[tilespmem:s16], [sflag:$0x1] =	stream.linear.gather [hbm4b:s5+s4], $0x50, $0x38;
	[tilespmem:$0x1DC80] =	vst v63  }
0x37: {  	s7 =	rddreg [dreg:$0x6];
	s10 =	sadd.s32 $0x0, s11  }
0x38: {  	[tilespmem:s17], [sflag:$0x1] =	stream.linear.gather [hbm4b:s10+s4], $0x50, $0x38;
	[tilespmem:$0x1DC80] =	vst v63  }
0x39: {  	s11 =	sadd.s32 $0x0, s7  }
0x3a: {  	[tilespmem:s18], [sflag:$0x1] =	stream.linear.gather [hbm4b:s11+s4], $0x50, $0x38;
	[tilespmem:$0x1DC80] =	vst v63  }
0x3b: {  	_ =	swait.ge [sflag:s19], $0x50  }
0x3c: {  	[sflag:s19] =	ssyncset.done $0x0  }
0x3d: {  	[sflag:s19] =	ssyncadd.s32 $0xFFFFFFB0  }
0x3e: {  	_ =	swait.ge [sflag:s19], $0x50  }
0x3f: {  	[sflag:s19] =	ssyncset.done $0x0  }
0x40: {  	[sflag:s19] =	ssyncadd.s32 $0xFFFFFFB0  }
0x41: {  	[tilespmem:s21], [sflag:$0x2] =	stream.indirect.gather [hbm4b:s1+s20], $0x80, s4, s20, $0xb8;
	[tilespmem:$0x1DC80] =	vst v63  }
0x42: {  	_ =	swait.ge [sflag:s19], $0x50  }
0x43: {  	[sflag:s19] =	ssyncset.done $0x0  }
0x44: {  	[sflag:s19] =	ssyncadd.s32 $0xFFFFFFB0  }
0x45: {  	_ =	swait.ge [sflag:s19], $0x50  }
0x46: {  	[sflag:s19] =	ssyncset.done $0x0  }
0x47: {  	[sflag:s19] =	ssyncadd.s32 $0xFFFFFFB0  }
0x48: {  	[tilespmem:s22], [sflag:$0x3] =	stream.indirect.gather [hbm4b:s1+s20], $0x80, s13, s20, $0xb8;
	[tilespmem:$0x1DC80] =	vst v63  }
0x49: {  	_ =	swait.ge [sflag:s19], $0x50  }
0x4a: {  	[sflag:s19] =	ssyncset.done $0x0  }
0x4b: {  	[sflag:s19] =	ssyncadd.s32 $0xFFFFFFB0  }
0x4c: {  	_ =	swait.ge [sflag:s19], $0x50  }
0x4d: {  	[sflag:s19] =	ssyncset.done $0x0  }
0x4e: {  	[sflag:s19] =	ssyncadd.s32 $0xFFFFFFB0  }
0x4f: {  	[tilespmem:s23], [sflag:$0x4] =	stream.indirect.gather [hbm4b:s1+s20], $0x80, s15, s20, $0xb8;
	[tilespmem:$0x1DC80] =	vst v63  }
0x50: {  	_ =	swait.ge [sflag:s19], $0x50  }
0x51: {  	[sflag:s19] =	ssyncset.done $0x0  }
0x52: {  	[sflag:s19] =	ssyncadd.s32 $0xFFFFFFB0  }
0x53: {  	_ =	swait.ge [sflag:s19], $0x50  }
0x54: {  	[sflag:s19] =	ssyncset.done $0x0  }
0x55: {  	[sflag:s19] =	ssyncadd.s32 $0xFFFFFFB0  }
0x56: {  	[tilespmem:s24], [sflag:$0x5] =	stream.indirect.gather [hbm4b:s1+s20], $0x80, s17, s20, $0xb8;
	[tilespmem:$0x1DC80] =	vst v63  }
0x57: {  	_ =	swait.ge [sflag:s25], $0x2800  }
0x58: {  	[sflag:s25] =	ssyncset.done $0x0  }
0x59: {  	[sflag:s25] =	ssyncadd.s32 $0xFFFFD800  }
0x5a: {  	[spmem:s2] =	stream.indirect.scatter.add.f32 [tilespmem:s21], [sflag:$0x6], $0x80, s12, s20, $0xb8;
	[tilespmem:$0x1DC80] =	vst v63  }
0x5b: {  	_ =	swait.ge [sflag:s26], $0x2800  }
0x5c: {  	[sflag:s26] =	ssyncset.done $0x0  }
0x5d: {  	[sflag:s26] =	ssyncadd.s32 $0xFFFFD800  }
0x5e: {  	[spmem:s2] =	stream.indirect.scatter.add.f32 [tilespmem:s22], [sflag:$0x7], $0x80, s14, s20, $0xb8;
	[tilespmem:$0x1DC80] =	vst v63  }
0x5f: {  	_ =	swait.ge [sflag:s28], $0x2800  }
0x60: {  	[sflag:s28] =	ssyncset.done $0x0  }
0x61: {  	[sflag:s28] =	ssyncadd.s32 $0xFFFFD800  }
0x62: {  	[spmem:s2] =	stream.indirect.scatter.add.f32 [tilespmem:s23], [sflag:$0x8], $0x80, s16, s20, $0xb8;
	[tilespmem:$0x1DC80] =	vst v63  }
0x63: {  	_ =	swait.ge [sflag:s29], $0x2800  }
0x64: {  	[sflag:s29] =	ssyncset.done $0x0  }
0x65: {  	[sflag:s29] =	ssyncadd.s32 $0xFFFFD800  }
0x66: {  	[spmem:s2] =	stream.indirect.scatter.add.f32 [tilespmem:s24], [sflag:$0x9], $0x80, s18, s20, $0xb8;
	[tilespmem:$0x1DC80] =	vst v63  }
0x67: {  	_ =	swait.ge [sflag:s30], $0x2800  }
0x68: {  	[sflag:s30] =	ssyncset.done $0x0  }
0x69: {  	[sflag:s30] =	ssyncadd.s32 $0xFFFFD800  }
0x6a: {  	_ =	swait.ge [sflag:s31], $0x2800  }
0x6b: {  	[sflag:s31] =	ssyncset.done $0x0  }
0x6c: {  	[sflag:s31] =	ssyncadd.s32 $0xFFFFD800  }
0x6d: {  	_ =	swait.ge [sflag:s0], $0x2800  }
0x6e: {  	[sflag:s0] =	ssyncset.done $0x0  }
0x6f: {  	[sflag:s0] =	ssyncadd.s32 $0xFFFFD800  }
0x70: {  	s9 =	simm.s32 $0x50;
	_ =	swait.ge [sflag:s3], $0x2800  }
0x71: {  	s8 =	simm.s32 $0x28;
	s10 =	rddreg [dreg:$0x5];
	[sflag:s3] =	ssyncset.done $0x0  }
.LBB2_2:
0x72: {  	[sflag:s3] =	ssyncadd.s32 $0xFFFFD800;
	s7 =	rddreg [dreg:$0x4];
	s10 =	sadd.s32 s8, s10  }
0x73: {  	[tilespmem:s4], [sflag:$0x1] =	stream.linear.gather [hbm4b:s10+s4], $0x50, $0x38;
	[tilespmem:$0x1DC80] =	vst v63  }
0x74: {  	s5 =	rddreg [dreg:$0xb];
	s7 =	sadd.s32 s8, s7  }
0x75: {  	[tilespmem:s12], [sflag:$0x1] =	stream.linear.gather [hbm4b:s7+s4], $0x50, $0x38;
	[tilespmem:$0x1DC80] =	vst v63  }
0x76: {  	s10 =	rddreg [dreg:$0xa];
	s5 =	sadd.s32 s8, s5  }
0x77: {  	[tilespmem:s13], [sflag:$0x1] =	stream.linear.gather [hbm4b:s5+s4], $0x50, $0x38;
	[tilespmem:$0x1DC80] =	vst v63  }
0x78: {  	s7 =	rddreg [dreg:$0x9];
	s5 =	sadd.s32 s8, s10  }
0x79: {  	[tilespmem:s14], [sflag:$0x1] =	stream.linear.gather [hbm4b:s5+s4], $0x50, $0x38;
	[tilespmem:$0x1DC80] =	vst v63  }
0x7a: {  	s10 =	rddreg [dreg:$0x8];
	s5 =	sadd.s32 s8, s7  }
0x7b: {  	[tilespmem:s15], [sflag:$0x1] =	stream.linear.gather [hbm4b:s5+s4], $0x50, $0x38;
	[tilespmem:$0x1DC80] =	vst v63  }
0x7c: {  	s7 =	rddreg [dreg:$0x7];
	s5 =	sadd.s32 s8, s10  }
0x7d: {  	[tilespmem:s16], [sflag:$0x1] =	stream.linear.gather [hbm4b:s5+s4], $0x50, $0x38;
	[tilespmem:$0x1DC80] =	vst v63  }
0x7e: {  	s7 =	sadd.s32 s8, s7;
	s10 =	rddreg [dreg:$0x6]  }
0x7f: {  	[tilespmem:s17], [sflag:$0x1] =	stream.linear.gather [hbm4b:s7+s4], $0x50, $0x38;
	[tilespmem:$0x1DC80] =	vst v63  }
0x80: {  	s10 =	sadd.s32 s8, s10  }
0x81: {  	[tilespmem:s18], [sflag:$0x1] =	stream.linear.gather [hbm4b:s10+s4], $0x50, $0x38;
	[tilespmem:$0x1DC80] =	vst v63  }
0x82: {  	_ =	swait.ge [sflag:s19], $0x50  }
0x83: {  	[sflag:s19] =	ssyncset.done $0x0  }
0x84: {  	[sflag:s19] =	ssyncadd.s32 $0xFFFFFFB0  }
0x85: {  	_ =	swait.ge [sflag:s19], $0x50  }
0x86: {  	[sflag:s19] =	ssyncset.done $0x0  }
0x87: {  	[sflag:s19] =	ssyncadd.s32 $0xFFFFFFB0  }
0x88: {  	[tilespmem:s21], [sflag:$0x2] =	stream.indirect.gather [hbm4b:s1+s20], $0x80, s4, s20, $0xb8;
	[tilespmem:$0x1DC80] =	vst v63  }
0x89: {  	_ =	swait.ge [sflag:s19], $0x50  }
0x8a: {  	[sflag:s19] =	ssyncset.done $0x0  }
0x8b: {  	[sflag:s19] =	ssyncadd.s32 $0xFFFFFFB0  }
0x8c: {  	_ =	swait.ge [sflag:s19], $0x50  }
0x8d: {  	[sflag:s19] =	ssyncset.done $0x0  }
0x8e: {  	[sflag:s19] =	ssyncadd.s32 $0xFFFFFFB0  }
0x8f: {  	[tilespmem:s22], [sflag:$0x3] =	stream.indirect.gather [hbm4b:s1+s20], $0x80, s13, s20, $0xb8;
	[tilespmem:$0x1DC80] =	vst v63  }
0x90: {  	_ =	swait.ge [sflag:s19], $0x50  }
0x91: {  	[sflag:s19] =	ssyncset.done $0x0  }
0x92: {  	[sflag:s19] =	ssyncadd.s32 $0xFFFFFFB0  }
0x93: {  	_ =	swait.ge [sflag:s19], $0x50  }
0x94: {  	[sflag:s19] =	ssyncset.done $0x0  }
0x95: {  	[sflag:s19] =	ssyncadd.s32 $0xFFFFFFB0  }
0x96: {  	[tilespmem:s23], [sflag:$0x4] =	stream.indirect.gather [hbm4b:s1+s20], $0x80, s15, s20, $0xb8;
	[tilespmem:$0x1DC80] =	vst v63  }
0x97: {  	_ =	swait.ge [sflag:s19], $0x50  }
0x98: {  	[sflag:s19] =	ssyncset.done $0x0  }
0x99: {  	[sflag:s19] =	ssyncadd.s32 $0xFFFFFFB0  }
0x9a: {  	_ =	swait.ge [sflag:s19], $0x50  }
0x9b: {  	[sflag:s19] =	ssyncset.done $0x0  }
0x9c: {  	[sflag:s19] =	ssyncadd.s32 $0xFFFFFFB0  }
0x9d: {  	[tilespmem:s24], [sflag:$0x5] =	stream.indirect.gather [hbm4b:s1+s20], $0x80, s17, s20, $0xb8;
	[tilespmem:$0x1DC80] =	vst v63  }
0x9e: {  	_ =	swait.ge [sflag:s25], $0x2800  }
0x9f: {  	[sflag:s25] =	ssyncset.done $0x0  }
0xa0: {  	[sflag:s25] =	ssyncadd.s32 $0xFFFFD800  }
0xa1: {  	[spmem:s2] =	stream.indirect.scatter.add.f32 [tilespmem:s21], [sflag:$0x6], $0x80, s12, s20, $0xb8;
	[tilespmem:$0x1DC80] =	vst v63  }
0xa2: {  	_ =	swait.ge [sflag:s26], $0x2800  }
0xa3: {  	[sflag:s26] =	ssyncset.done $0x0  }
0xa4: {  	[sflag:s26] =	ssyncadd.s32 $0xFFFFD800  }
0xa5: {  	[spmem:s2] =	stream.indirect.scatter.add.f32 [tilespmem:s22], [sflag:$0x7], $0x80, s14, s20, $0xb8;
	[tilespmem:$0x1DC80] =	vst v63  }
0xa6: {  	_ =	swait.ge [sflag:s28], $0x2800  }
0xa7: {  	[sflag:s28] =	ssyncset.done $0x0  }
0xa8: {  	[sflag:s28] =	ssyncadd.s32 $0xFFFFD800  }
0xa9: {  	[spmem:s2] =	stream.indirect.scatter.add.f32 [tilespmem:s23], [sflag:$0x8], $0x80, s16, s20, $0xb8;
	[tilespmem:$0x1DC80] =	vst v63  }
0xaa: {  	_ =	swait.ge [sflag:s29], $0x2800  }
0xab: {  	[sflag:s29] =	ssyncset.done $0x0  }
0xac: {  	[sflag:s29] =	ssyncadd.s32 $0xFFFFD800  }
0xad: {  	[spmem:s2] =	stream.indirect.scatter.add.f32 [tilespmem:s24], [sflag:$0x9], $0x80, s18, s20, $0xb8;
	[tilespmem:$0x1DC80] =	vst v63  }
0xae: {  	_ =	swait.ge [sflag:s30], $0x2800  }
0xaf: {  	[sflag:s30] =	ssyncset.done $0x0  }
0xb0: {  	[sflag:s30] =	ssyncadd.s32 $0xFFFFD800  }
0xb1: {  	_ =	swait.ge [sflag:s31], $0x2800  }
0xb2: {  	[sflag:s31] =	ssyncset.done $0x0  }
0xb3: {  	p1 =	sne.s32 s9, $0x4B0;
	[sflag:s31] =	ssyncadd.s32 $0xFFFFD800  }
.Ltmp0:
0xb4: {  	_ =	swait.ge [sflag:s0], $0x2800;
	(pc) =	sbr.rel @p1 .LBB2_2-.Ltmp0, $4  }
0xb5: {  	[sflag:s0] =	ssyncset.done $0x0  }
0xb6: {  	[sflag:s0] =	ssyncadd.s32 $0xFFFFD800  }
0xb7: {  	s11 =	smov.u32 s9;
	s9 =	sadd.s32 $0x28, s9;
	_ =	swait.ge [sflag:s3], $0x2800  }
0xb8: {  	s8 =	smov.u32 s11;
	s10 =	rddreg [dreg:$0x5];
	[sflag:s3] =	ssyncset.done $0x0  }
0xb9: {  	s5 =	rddreg [dreg:$0x4];
	[sflag:s3] =	ssyncadd.s32 $0xFFFFD800;
	s7 =	sadd.s32 s8, s10  }
0xba: {  	[tilespmem:s4], [sflag:$0x1] =	stream.linear.gather [hbm4b:s7+s4], $0x50, $0x38;
	[tilespmem:$0x1DC80] =	vst v63  }
0xbb: {  	s9 =	rddreg [dreg:$0xb];
	s5 =	sadd.s32 s8, s5  }
0xbc: {  	[tilespmem:s12], [sflag:$0x1] =	stream.linear.gather [hbm4b:s5+s4], $0x50, $0x38;
	[tilespmem:$0x1DC80] =	vst v63  }
0xbd: {  	s10 =	rddreg [dreg:$0xa];
	s7 =	sadd.s32 s8, s9  }
0xbe: {  	[tilespmem:s13], [sflag:$0x1] =	stream.linear.gather [hbm4b:s7+s4], $0x50, $0x38;
	[tilespmem:$0x1DC80] =	vst v63  }
0xbf: {  	s11 =	rddreg [dreg:$0x9];
	s5 =	sadd.s32 s8, s10  }
0xc0: {  	[tilespmem:s14], [sflag:$0x1] =	stream.linear.gather [hbm4b:s5+s4], $0x50, $0x38;
	[tilespmem:$0x1DC80] =	vst v63  }
0xc1: {  	s9 =	rddreg [dreg:$0x8];
	s7 =	sadd.s32 s8, s11  }
0xc2: {  	[tilespmem:s15], [sflag:$0x1] =	stream.linear.gather [hbm4b:s7+s4], $0x50, $0x38;
	[tilespmem:$0x1DC80] =	vst v63  }
0xc3: {  	s10 =	rddreg [dreg:$0x7];
	s5 =	sadd.s32 s8, s9  }
0xc4: {  	[tilespmem:s16], [sflag:$0x1] =	stream.linear.gather [hbm4b:s5+s4], $0x50, $0x38;
	[tilespmem:$0x1DC80] =	vst v63  }
0xc5: {  	s11 =	rddreg [dreg:$0x6];
	s7 =	sadd.s32 s8, s10  }
0xc6: {  	[tilespmem:s17], [sflag:$0x1] =	stream.linear.gather [hbm4b:s7+s4], $0x50, $0x38;
	[tilespmem:$0x1DC80] =	vst v63  }
0xc7: {  	s5 =	sadd.s32 s8, s11  }
0xc8: {  	[tilespmem:s18], [sflag:$0x1] =	stream.linear.gather [hbm4b:s5+s4], $0x50, $0x38;
	[tilespmem:$0x1DC80] =	vst v63  }
0xc9: {  	_ =	swait.ge [sflag:s19], $0x50  }
0xca: {  	[sflag:s19] =	ssyncset.done $0x0  }
0xcb: {  	[sflag:s19] =	ssyncadd.s32 $0xFFFFFFB0  }
0xcc: {  	_ =	swait.ge [sflag:s19], $0x50  }
0xcd: {  	[sflag:s19] =	ssyncset.done $0x0  }
0xce: {  	[sflag:s19] =	ssyncadd.s32 $0xFFFFFFB0  }
0xcf: {  	[tilespmem:s21], [sflag:$0x2] =	stream.indirect.gather [hbm4b:s1+s20], $0x80, s4, s20, $0xb8;
	[tilespmem:$0x1DC80] =	vst v63  }
0xd0: {  	_ =	swait.ge [sflag:s19], $0x50  }
0xd1: {  	[sflag:s19] =	ssyncset.done $0x0  }
0xd2: {  	[sflag:s19] =	ssyncadd.s32 $0xFFFFFFB0  }
0xd3: {  	_ =	swait.ge [sflag:s19], $0x50  }
0xd4: {  	[sflag:s19] =	ssyncset.done $0x0  }
0xd5: {  	[sflag:s19] =	ssyncadd.s32 $0xFFFFFFB0  }
0xd6: {  	[tilespmem:s22], [sflag:$0x3] =	stream.indirect.gather [hbm4b:s1+s20], $0x80, s13, s20, $0xb8;
	[tilespmem:$0x1DC80] =	vst v63  }
0xd7: {  	_ =	swait.ge [sflag:s19], $0x50  }
0xd8: {  	[sflag:s19] =	ssyncset.done $0x0  }
0xd9: {  	[sflag:s19] =	ssyncadd.s32 $0xFFFFFFB0  }
0xda: {  	_ =	swait.ge [sflag:s19], $0x50  }
0xdb: {  	[sflag:s19] =	ssyncset.done $0x0  }
0xdc: {  	[sflag:s19] =	ssyncadd.s32 $0xFFFFFFB0  }
0xdd: {  	[tilespmem:s23], [sflag:$0x4] =	stream.indirect.gather [hbm4b:s1+s20], $0x80, s15, s20, $0xb8;
	[tilespmem:$0x1DC80] =	vst v63  }
0xde: {  	_ =	swait.ge [sflag:s19], $0x50  }
0xdf: {  	[sflag:s19] =	ssyncset.done $0x0  }
0xe0: {  	[sflag:s19] =	ssyncadd.s32 $0xFFFFFFB0  }
0xe1: {  	_ =	swait.ge [sflag:s19], $0x50  }
0xe2: {  	[sflag:s19] =	ssyncset.done $0x0  }
0xe3: {  	[sflag:s19] =	ssyncadd.s32 $0xFFFFFFB0  }
0xe4: {  	[tilespmem:s24], [sflag:$0x5] =	stream.indirect.gather [hbm4b:s1+s20], $0x80, s17, s20, $0xb8;
	[tilespmem:$0x1DC80] =	vst v63  }
0xe5: {  	_ =	swait.ge [sflag:s25], $0x2800  }
0xe6: {  	[sflag:s25] =	ssyncset.done $0x0  }
0xe7: {  	[sflag:s25] =	ssyncadd.s32 $0xFFFFD800  }
0xe8: {  	[spmem:s2] =	stream.indirect.scatter.add.f32 [tilespmem:s21], [sflag:$0x6], $0x80, s12, s20, $0xb8;
	[tilespmem:$0x1DC80] =	vst v63  }
0xe9: {  	_ =	swait.ge [sflag:s26], $0x2800  }
0xea: {  	[sflag:s26] =	ssyncset.done $0x0  }
0xeb: {  	[sflag:s26] =	ssyncadd.s32 $0xFFFFD800  }
0xec: {  	[spmem:s2] =	stream.indirect.scatter.add.f32 [tilespmem:s22], [sflag:$0x7], $0x80, s14, s20, $0xb8;
	[tilespmem:$0x1DC80] =	vst v63  }
0xed: {  	_ =	swait.ge [sflag:s28], $0x2800  }
0xee: {  	[sflag:s28] =	ssyncset.done $0x0  }
0xef: {  	[sflag:s28] =	ssyncadd.s32 $0xFFFFD800  }
0xf0: {  	[spmem:s2] =	stream.indirect.scatter.add.f32 [tilespmem:s23], [sflag:$0x8], $0x80, s16, s20, $0xb8;
	[tilespmem:$0x1DC80] =	vst v63  }
0xf1: {  	_ =	swait.ge [sflag:s29], $0x2800  }
0xf2: {  	[sflag:s29] =	ssyncset.done $0x0  }
0xf3: {  	[sflag:s29] =	ssyncadd.s32 $0xFFFFD800  }
0xf4: {  	[spmem:s2] =	stream.indirect.scatter.add.f32 [tilespmem:s24], [sflag:$0x9], $0x80, s18, s20, $0xb8;
	[tilespmem:$0x1DC80] =	vst v63  }
0xf5: {  	_ =	swait.ge [sflag:s30], $0x2800  }
0xf6: {  	[sflag:s30] =	ssyncset.done $0x0  }
0xf7: {  	[sflag:s30] =	ssyncadd.s32 $0xFFFFD800  }
0xf8: {  	_ =	swait.ge [sflag:s31], $0x2800  }
0xf9: {  	[sflag:s31] =	ssyncset.done $0x0  }
0xfa: {  	[sflag:s31] =	ssyncadd.s32 $0xFFFFD800  }
0xfb: {  	_ =	swait.ge [sflag:s0], $0x2800  }
0xfc: {  	[sflag:s0] =	ssyncset.done $0x0  }
0xfd: {  	[sflag:s0] =	ssyncadd.s32 $0xFFFFD800  }
0xfe: {  	_ =	swait.ge [sflag:s3], $0x2800  }
0xff: {  	[sflag:s3] =	ssyncset.done $0x0  }
0x100: {  	s9 =	simm.s32 $0xA;
	s8 =	rddreg [dreg:$0xe];
	[sflag:s3] =	ssyncadd.s32 $0xFFFFD800  }
0x101: {  	[tilespmem:s4], [sflag:$0xA] =	stream.linear.gather [hbm4b:s8+s4], $0x50, $0x38;
	[tilespmem:$0x1DC80] =	vst v63  }
0x102: {  	_ =	swait.ge [sflag:s9], $0x50  }
0x103: {  	[sflag:s9] =	ssyncset.done $0x0  }
0x104: {  	s10 =	rddreg [dreg:$0xf];
	[sflag:s9] =	ssyncadd.s32 $0xFFFFFFB0  }
0x105: {  	[tilespmem:s12], [sflag:$0xA] =	stream.linear.gather [hbm4b:s10+s4], $0x50, $0x38;
	[tilespmem:$0x1DC80] =	vst v63  }
0x106: {  	_ =	swait.ge [sflag:s9], $0x50  }
0x107: {  	[sflag:s9] =	ssyncset.done $0x0  }
0x108: {  	[sflag:s9] =	ssyncadd.s32 $0xFFFFFFB0  }
0x109: {  	[tilespmem:s21], [sflag:$0x2] =	stream.indirect.gather [hbm4b:s1+s20], $0x80, s4, s20, $0xb8;
	[tilespmem:$0x1DC80] =	vst v63  }
0x10a: {  	_ =	swait.ge [sflag:s25], $0x2800  }
0x10b: {  	[sflag:s25] =	ssyncset.done $0x0  }
0x10c: {  	[sflag:s25] =	ssyncadd.s32 $0xFFFFD800  }
0x10d: {  	[spmem:s2] =	stream.indirect.scatter.add.f32 [tilespmem:s21], [sflag:$0xA], $0x80, s12, s20, $0xb8;
	[tilespmem:$0x1DC80] =	vst v63  }
0x10e: {  	_ =	swait.ge [sflag:s9], $0x2800  }
0x10f: {  	[sflag:s9] =	ssyncset.done $0x0  }
0x110: {  	[sflag:s9] =	ssyncadd.s32 $0xFFFFD800  }
0x111: {  	[bflag:$0x0] =	sbarrier.arrive $0xFFFF  }
0x112: {  	s5 =	rddreg [dreg:$0x10]  }
0x113: {  	s8 =	rddreg [dreg:$0x12]  }
0x114: {  	s7 =	rddreg [dreg:$0x13]  }
0x115: {  	[hbm:s5], [sflag:s8] =	dma.local @!p0 [spmem:s7], $0x3E80  }
0x116: {  	s5 =	simm.s32 @!p0 $0xA  }
0x117: {  	_ =	swait.ge @!p0 [sflag:s5], $0x3E80  }
0x118: {  	s6 =	sadd.s32 $0x1, s6;
	s11 =	rddreg [dreg:$0x11]  }
0x119: {  	p1 =	sne.s32 s6, s11  }
.Ltmp1:
0x11a: {  	_ = 	snop;
	(pc) =	sbr.rel @p1 .LBB2_1-.Ltmp1, $3  }
0x11b: {  	_ =	sdelay $0x1  }
0x11c: {  	[sflag:s5] =	ssyncset.done @!p0 $0x0  }
0x11d: {  	[sflag:s5] =	ssyncadd.s32 @!p0 $0xFFFFC180  }
0x11e: {  	_ =	sfence.sel $0x180000  }
0x11f: {  	[bflag:$0x0] =	sbarrier.arrive $0xFFFF  }
0x120: {  	_ =	strace $0x9000004A  }
0x121: {  	s0 =	stileid.u32;
	[bflag:$0x2] =	sbarrier.arrive $0xFFFF  }
0x122: {  	p0 =	sne.s32 s0, $0x0;
	s0 =	rddreg [dreg:$0x3]  }
0x123: {  	s0 =	sadd.s32 @!p0 $0x100000, s0  }
0x124: {  	[sflag:s0] =	ssyncadd.tile.s32 @!p0 $0x1;
	_ =	shalt  }
.Lfunc_end2:
_tile_overlayer_lowered:
.L_overlay_start_2:
0x125: {  	(tag) =	ssettag $0x2  }
0x126: {  	s0 =	rddreg [dreg:$0x0];
	s2 =	stileid.u32  }
0x127: {  	s1 =	rddreg [dreg:$0x1];
	p0 =	sne.s32 s2, $0x0  }
0x128: {  	s3 =	rddreg [dreg:$0x2];
	[bflag:$0x3] =	sbarrier.arrive $0xFFFF;
	s2 =	simm.s32 @!p0 $0x1C0A  }
0x129: {  	[timem:s3], [sflag:s2] =	dma.local @!p0 [hbm:s0], s1  }
0x12a: {  	s0 =	simm.s32 @!p0 $0xA  }
0x12b: {  	_ =	swait.ge @!p0 [sflag:s0], s1  }
0x12c: {  	s1 =	ssub.s32 @!p0 $0x0, s1;
	[sflag:s0] =	ssyncset.done @!p0 $0x0  }
0x12d: {  	[sflag:s0] =	ssyncadd.s32 @!p0 s1  }
0x12e: {  	[bflag:$0x3] =	sbarrier.arrive $0xFFFF  }
0x12f: {  	_ =	shalt  }

// kernel: kernel.14.cloned.1.call-start
scs
__scs_entry_jumppad:
0x0: {  	(pc) =	sbr.rel $0x88, $3  }
0x1: {  	(tag) =	ssettag $0x0;
	lr =	simm.s32 $0x1  }
0x2: {  	[smem:$0x3F9B] =	sst lr;
	_ =	strace $0xD0000000  }
0x3: {  	_ = 	snop  }
0x4: {  	_ = 	snop  }
0x5: {  	_ = 	snop  }
0x6: {  	_ = 	snop  }
0x7: {  	_ = 	snop  }
__scs_overlays_trampoline_lowered:
0x8: {  	[smem:$0x3FAA] =	sst s0  }
0x9: {  	[smem:$0x3FAB] =	sst s1  }
0xa: {  	[smem:$0x3FAC] =	sst s2  }
0xb: {  	[smem:$0x3FAD] =	sst s3  }
0xc: {  	[smem:$0x3FAE] =	sst s4  }
0xd: {  	[smem:$0x3FAF] =	sst s5  }
0xe: {  	[smem:$0x3FB0] =	sst s6  }
0xf: {  	[smem:$0x3FB1] =	sst s7  }
0x10: {  	[smem:$0x3FB2] =	sst s8  }
0x11: {  	[smem:$0x3FB3] =	sst s9;
	s0 =	simm.s32 @!p0 $0x0  }
0x12: {  	s1 =	sld [smem:$0x3F99];
	s0 =	simm.s32 @p0 $0x1  }
0x13: {  	[smem:$0x3FB4] =	sst s0;
	s0 =	simm.s32 @!p1 $0x0  }
0x14: {  	s2 =	sld [smem:$0x3F98];
	s0 =	simm.s32 @p1 $0x1  }
0x15: {  	[smem:$0x3FB5] =	sst s0;
	s0 =	simm.s32 @!p2 $0x0  }
0x16: {  	s3 =	sld [smem:$0x3FDB];
	s0 =	simm.s32 @p2 $0x1  }
0x17: {  	s4 =	simm.s32 $0x1BF5;
	[smem:$0x3FB7] =	sst s0  }
0x18: {  	s0 =	sld [smem:$0x3F9A];
	_ =	swait.ge [sflag:s4], $0x0  }
0x19: {  	s7 =	sld [smem:$0x3F9B]  }
0x1a: {  	s8 =	sadd.s32 $0xFFFFE003, lr  }
0x1b: {  	s9 =	sadd.s32 $0xFFFFFEF7, lr;
	s5 =	simm.s32 $0xFFFFFFFF;
	p2 =	slt.u32 s8, $0xFFFFF086  }
0x1c: {  	p1 =	slt.u32 s9, $0xF7A;
	s5 =	simm.s32 @!p2 $0x0  }
0x1d: {  	s5 =	simm.s32 @p1 $0x1;
	p0 =	seq.s32 s7, s2  }
0x1e: {  	s7 =	smul.u32 @!p0 $0xF7A, s2;
	p2 =	seq.s32 @!p0 s5, $0x0  }
0x1f: {  	s9 =	smul.u32 $0xF7A, s1;
	s8 =	simm.s32 @!p0 $0x1BF5;
	p2 =	por !p2, p0  }
0x20: {  	[sflag:s8] =	ssyncset.s32 @!p0 $0xFFFFF086;
	s6 =	sadd.s32 @!p0 s3, s7;
	s7 =	simm.s32 @!p0 $0x108  }
0x21: {  	s3 =	sadd.s32 s3, s9;
	s6 =	sadd.s32 @!p0 $0x88, s6;
	s7 =	simm.s32 @p2 $0x1082  }
0x22: {  	[simem:s7], [sflag:s8] =	dma.local @!p0 [hbm:s6], $0xF7A  }
0x23: {  	s9 =	sor.u32 $0xD0000000, s2;
	s6 =	simm.s32 $0x108;
	_ =	swait.ge @!p0 [sflag:s8], $0x0  }
0x24: {  	s3 =	sadd.s32 $0x88, s3;
	s6 =	simm.s32 @!p1 $0x1082;
	[sflag:s4] =	ssyncset.s32 $0xFFFFF086  }
0x25: {  	[simem:s6], [sflag:s4] =	dma.local [hbm:s3], $0xF7A  }
0x26: {  	[smem:$0x3F9B] =	sst s1;
	(tag) =	ssettag s2;
	_ =	strace s9  }
0x27: {  	s1 =	sld [smem:$0x3FAB]  }
0x28: {  	s2 =	sld [smem:$0x3FAC]  }
0x29: {  	s4 =	sld [smem:$0x3FAE]  }
0x2a: {  	p0 =	seq.s32 s5, $0x0;
	s5 =	sld [smem:$0x3FAF]  }
0x2b: {  	s6 =	sld [smem:$0x3FB0]  }
0x2c: {  	s7 =	sld [smem:$0x3FB1]  }
0x2d: {  	s3 =	simm.s32 $0x108;
	s8 =	sld [smem:$0x3FB2]  }
0x2e: {  	s3 =	simm.s32 @!p0 $0x1082;
	s9 =	sld [smem:$0x3FB3]  }
0x2f: {  	lr =	sadd.s32 s0, s3;
	s0 =	sld [smem:$0x3FAA]  }
0x30: {  	s3 =	sld [smem:$0x3FAD]  }
0x31: {  	[smem:$0x3FB6] =	sst s10  }
0x32: {  	s10 =	sld [smem:$0x3FB4];
	_ =	sdelay $0x3  }
0x33: {  	p0 =	seq.s32 s10, $0x1;
	s10 =	sld [smem:$0x3FB6];
	_ =	sdelay $0x3  }
0x34: {  	[smem:$0x3FB6] =	sst s10  }
0x35: {  	s10 =	sld [smem:$0x3FB5];
	_ =	sdelay $0x3  }
0x36: {  	p1 =	seq.s32 s10, $0x1;
	s10 =	sld [smem:$0x3FB6];
	_ =	sdelay $0x3  }
0x37: {  	[smem:$0x3FB6] =	sst s10  }
0x38: {  	s10 =	sld [smem:$0x3FB7]  }
0x39: {  	_ = 	snop;
	(pc) =	sbr.ind lr, $3  }
0x3a: {  	_ = 	snop  }
0x3b: {  	_ = 	snop  }
0x3c: {  	p2 =	seq.s32 s10, $0x1;
	s10 =	sld [smem:$0x3FB6]  }
0x3d: {  	_ =	shalt  }
0x3e: {  	_ =	shalt  }
0x3f: {  	_ =	shalt  }
0x40: {  	_ =	shalt  }
0x41: {  	_ =	shalt  }
0x42: {  	_ =	shalt  }
0x43: {  	_ =	shalt  }
0x44: {  	_ =	shalt  }
0x45: {  	_ =	shalt  }
0x46: {  	_ =	shalt  }
0x47: {  	_ =	shalt  }
0x48: {  	_ =	shalt  }
0x49: {  	_ =	shalt  }
0x4a: {  	_ =	shalt  }
0x4b: {  	_ =	shalt  }
0x4c: {  	_ =	shalt  }
0x4d: {  	_ =	shalt  }
0x4e: {  	_ =	shalt  }
0x4f: {  	_ =	shalt  }
0x50: {  	_ =	shalt  }
0x51: {  	_ =	shalt  }
0x52: {  	_ =	shalt  }
0x53: {  	_ =	shalt  }
0x54: {  	_ =	shalt  }
0x55: {  	_ =	shalt  }
0x56: {  	_ =	shalt  }
0x57: {  	_ =	shalt  }
0x58: {  	_ =	shalt  }
0x59: {  	_ =	shalt  }
0x5a: {  	_ =	shalt  }
0x5b: {  	_ =	shalt  }
0x5c: {  	_ =	shalt  }
0x5d: {  	_ =	shalt  }
0x5e: {  	_ =	shalt  }
0x5f: {  	_ =	shalt  }
0x60: {  	_ =	shalt  }
0x61: {  	_ =	shalt  }
0x62: {  	_ =	shalt  }
0x63: {  	_ =	shalt  }
0x64: {  	_ =	shalt  }
0x65: {  	_ =	shalt  }
0x66: {  	_ =	shalt  }
0x67: {  	_ =	shalt  }
0x68: {  	_ =	shalt  }
0x69: {  	_ =	shalt  }
0x6a: {  	_ =	shalt  }
0x6b: {  	_ =	shalt  }
0x6c: {  	_ =	shalt  }
0x6d: {  	_ =	shalt  }
0x6e: {  	_ =	shalt  }
0x6f: {  	_ =	shalt  }
0x70: {  	_ =	shalt  }
0x71: {  	_ =	shalt  }
0x72: {  	_ =	shalt  }
0x73: {  	_ =	shalt  }
0x74: {  	_ =	shalt  }
0x75: {  	_ =	shalt  }
0x76: {  	_ =	shalt  }
0x77: {  	_ =	shalt  }
0x78: {  	_ =	shalt  }
0x79: {  	_ =	shalt  }
0x7a: {  	_ =	shalt  }
0x7b: {  	_ =	shalt  }
0x7c: {  	_ =	shalt  }
0x7d: {  	_ =	shalt  }
0x7e: {  	_ =	shalt  }
0x7f: {  	_ =	shalt  }
0x80: {  	_ =	shalt  }
0x81: {  	_ =	shalt  }
0x82: {  	_ =	shalt  }
0x83: {  	_ =	shalt  }
0x84: {  	_ =	shalt  }
0x85: {  	_ =	shalt  }
0x86: {  	_ =	shalt  }
0x87: {  	_ =	shalt  }
.Lfunc_end0:
.L_simem_size_0:
called_computation.2_lowered:
.L_overlay_start_0:
0x88: {  	s2 =	sld [smem:$0x3FD9]  }
0x89: {  	s3 =	sld [smem:$0x3FFE];
	_ =	sdelay $0x1  }
0x8a: {  	s1 =	srdreg.scid  }
0x8b: {  	s0 =	sand.u32 $0x1, s1  }
0x8c: {  	s17 =	sshll.u32 s0, $0xA;
	s2 =	sadd.s32 s3, s2  }
0x8d: {  	s2 =	sadd.s32 s2, s17  }
0x8e: {  	[smem:$0x3FC2] =	sst s2  }
0x8f: {  	_ = 	snop  }
0x90: {  	s2 =	sld [smem:$0x3FD0];
	(tm) =	ssettm $0x1  }
0x91: {  	s18 =	sld [smem:$0x3FFB];
	_ =	sdelay $0x3  }
0x92: {  	_ =	strace s18  }
0x93: {  	s3 =	sld [smem:$0x3FFC];
	_ =	sdelay $0x3  }
0x94: {  	_ =	strace s3  }
0x95: {  	s3 =	sld [smem:$0x3FFD];
	_ =	sdelay $0x3  }
0x96: {  	_ =	strace s3  }
0x97: {  	_ =	strace $0x8FFFFFFF  }
0x98: {  	s19 =	sld [smem:$0x3FDB];
	_ =	sdelay $0x1  }
0x99: {  	s4 =	simm.s32 $_scs_section_size  }
0x9a: {  	s5 =	simm.s32 $_size__tile_overlayer_lowered;
	s6 =	simm.s32 $_tile_overlayer_lowered  }
0x9b: {  	s22 =	simm.s32 $0x1BFF;
	s21 =	sshll.u32 s6, $0x1;
	s3 =	sadd.s32 s4, s19  }
0x9c: {  	s7 =	simm.s32 $0x0;
	s20 =	sshll.u32 s5, $0x1;
	s5 =	sadd.s32 s21, s3  }
0x9d: {  	[timem:s7], [sflag:s22] =	dma.local [hbm:s5], s20  }
0x9e: {  	_ =	swait.ge [sflag:s22], s20  }
0x9f: {  	s4 =	ssub.s32 $0x0, s20;
	[sflag:s22] =	ssyncset.done $0x0  }
0xa0: {  	[sflag:s22] =	ssyncadd.s32 s4;
	_ =	sdelay $0x1  }
0xa1: {  	s23 =	simm.s32 $0x1B8B  }
0xa2: {  	_ =	swait.ge [sflag:s23], $0x1  }
0xa3: {  	[sflag:s23] =	ssyncset.done $0x0  }
0xa4: {  	s25 =	simm.s32 $0x1B8E;
	s24 =	sld [smem:$0x3FFE];
	[sflag:s23] =	ssyncadd.s32 $0xFFFFFFFF  }
0xa5: {  	s26 =	simm.s32 $execute0_lowered;
	[smem:$0x3FD2] =	sst s25  }
0xa6: {  	s5 =	sshll.u32 s26, $0x1;
	_ =	strace $0x8000004C;
	[dreg:$0x1] =	wrdreg $0xFFFFFFFF  }
0xa7: {  	s28 =	simm.s32 $_size_execute0_lowered;
	s3 =	sadd.s32 s3, s5;
	[dreg:$0x0] =	wrdreg $0x0  }
0xa8: {  	s5 =	sshll.u32 s28, $0x1;
	[dreg:$0x2] =	wrdreg s3  }
0xa9: {  	[dreg:$0x3] =	wrdreg s5  }
0xaa: {  	[dreg:$0x4] =	wrdreg $0xC0  }
0xab: {  	_ =	task [dreg:s7], $0x5FFFF  }
0xac: {  	[dreg:$0x1] =	wrdreg $0xFFFFFFFF  }
0xad: {  	[dreg:$0x0] =	wrdreg $0x60  }
0xae: {  	[dreg:$0x2] =	wrdreg s2  }
0xaf: {  	[dreg:$0x3] =	wrdreg s24  }
0xb0: {  	[dreg:$0x4] =	wrdreg $0xA4000  }
0xb1: {  	[dreg:$0x5] =	wrdreg $0x9  }
0xb2: {  	_ =	task.clear_ibuf [dreg:s7], $0x6FFFF;
	_ =	strace $0x9000004C  }
0xb3: {  	s29 =	simm.s32 $0x9;
	_ =	strace $0x8000004E  }
0xb4: {  	_ =	swait.ge [sflag:s29], $0x1  }
0xb5: {  	[sflag:s29] =	ssyncadd.s32 $0xFFFFFFFF  }
0xb6: {  	_ =	strace $0x9000004E  }
0xb7: {  	_ =	sfence  }
0xb8: {  	s30 =	sld [smem:$0x0];
	_ =	sdelay $0x2  }
0xb9: {  	s31 =	sshll.u32 s1, $0xD;
	s1 =	sshrl.u32 s1, $0x2  }
0xba: {  	s3 =	sand.u32 $0x4000, s31;
	s1 =	sadd.s32 s1, s30  }
0xbb: {  	s0 =	sor.u32 s3, s0;
	s1 =	sshll.u32 s1, $0x11  }
0xbc: {  	s0 =	sor.u32 s1, s0  }
0xbd: {  	s0 =	sadd.s32 $0x8F2B, s0  }
0xbe: {  	[sflag:s0] =	ssyncadd.remote.s32 $0x1  }
0xbf: {  	_ =	sfence.sel $0xFFFF  }
0xc0: {  	[dreg:$0x0] =	wrdreg $0xFFFFFFFF;
	(pc) =	sbr.abs _section_cstart, $3  }
0xc1: {  	[dreg:$0x1] =	wrdreg $0xFFFFFFFF  }
0xc2: {  	_ =	task.clear_ibuf [dreg:s7], $0x2FFFF;
	_ =	strace $0x9FFFFFFF  }
0xc3: {  	(tm) =	ssettm $0x7FFFFFFF  }
tec
execute0_lowered:
.L_overlay_start_1:
0x0: {  	(tag) =	ssettag $0x1  }
0x1: {  	s1 =	rddreg [dreg:$0x0]  }
0x2: {  	s0 =	rddreg [dreg:$0x1]  }
0x3: {  	s2 =	rddreg [dreg:$0x2]  }
0x4: {  	s4 =	simm.s32 $0x0;
	s3 =	srdreg.scid;
	s13 =	stileid.u32  }
0x5: {  	s28 =	simm.s32 $0x4;
	s29 =	simm.s32 $0x5;
	s30 =	simm.s32 $0x6  }
0x6: {  	[smem:$0x7FF] =	sst s4;
	s3 =	sand.u32 $0x1, s3;
	s6 =	smul.u32 $0x1F400, s13  }
0x7: {  	s8 =	sadd.s32 $0x3400, s0;
	s9 =	smul.u32 $0x7D000, s13;
	s10 =	sadd.s32 $0xD200, s0  }
0x8: {  	s11 =	sadd.s32 $0x17000, s0;
	s12 =	smul.u32 $0x2710, s13;
	p0 =	sgt.u32 s13, $0x9  }
0x9: {  	s31 =	simm.s32 $0x7;
	s5 =	smul.u32 $0x138800, s3;
	_ =	strace $0x8000004D  }
0xa: {  	s7 =	sshll.u32 s3, $0x4;
	[dreg:$0xc] =	wrdreg s11;
	s24 =	ssub.s32 $0x2, s3  }
0xb: {  	s3 =	smul.u32 $0x27100, s3;
	s7 =	sor.u32 s13, s7;
	s25 =	sshrl.u32 s24, $0x1  }
0xc: {  	s9 =	sshrl.u32 s9, $0x2;
	s7 =	smul.u32 $0x2710, s7;
	s5 =	sadd.s32 s6, s5  }
0xd: {  	s26 =	ssub.s32 s24, s25;
	s3 =	sadd.s32 s12, s3;
	s5 =	sshrl.u32 s5, $0x3  }
0xe: {  	s12 =	sshrl.u32 s3, $0x3;
	s15 =	sadd.s32 $0xF0, s3;
	s19 =	sadd.s32 $0xA0, s3  }
0xf: {  	s3 =	sadd.s32 $0x50, s3;
	s26 =	smax.u32 s26, $0x1;
	s0 =	sadd.s32 s5, s0  }
0x10: {  	s7 =	sshrl.u32 s7, $0x3;
	s14 =	sadd.s32 s12, s10;
	s16 =	sadd.s32 s12, s8  }
0x11: {  	s17 =	sshrl.u32 s15, $0x3;
	s21 =	sshrl.u32 s19, $0x3;
	s3 =	sshrl.u32 s3, $0x3  }
0x12: {  	[dreg:$0x11] =	wrdreg s26;
	s12 =	simm.s32 $0x200;
	s15 =	simm.s32 $0x100  }
0x13: {  	s19 =	simm.s32 $0x1;
	s26 =	simm.s32 $0x3;
	[dreg:$0x4] =	wrdreg s14  }
0x14: {  	s6 =	sadd.s32 $0x4D8, s7;
	s7 =	sadd.s32 s9, s2;
	[dreg:$0x5] =	wrdreg s16  }
0x15: {  	s18 =	sadd.s32 s17, s10;
	s20 =	sadd.s32 s17, s8;
	[dreg:$0xd] =	wrdreg s7  }
0x16: {  	s22 =	sadd.s32 s21, s10;
	s23 =	sadd.s32 s21, s8;
	[dreg:$0x6] =	wrdreg s18  }
0x17: {  	s0 =	sadd.s32 $0x69400, s0;
	s24 =	sadd.s32 s3, s10;
	[dreg:$0x7] =	wrdreg s20  }
0x18: {  	s25 =	sadd.s32 s3, s8;
	s14 =	simm.s32 $0x280;
	[dreg:$0x8] =	wrdreg s22  }
0x19: {  	s16 =	simm.s32 $0x300;
	s17 =	simm.s32 $0x180;
	[dreg:$0x10] =	wrdreg s0  }
0x1a: {  	s21 =	simm.s32 $0x400;
	s3 =	simm.s32 $0x9;
	[dreg:$0x9] =	wrdreg s23  }
0x1b: {  	s11 =	sadd.s32 s8, s6;
	s6 =	sadd.s32 s10, s6;
	[dreg:$0xa] =	wrdreg s24  }
0x1c: {  	[dreg:$0xb] =	wrdreg s25;
	s0 =	sshll.u32 @!p0 s13, $0x6;
	s13 =	simm.s32 $0x80  }
0x1d: {  	s18 =	simm.s32 $0x380;
	s20 =	simm.s32 $0x50;
	s22 =	simm.s32 $0x2C00  }
0x1e: {  	s23 =	simm.s32 $0x5400;
	s24 =	simm.s32 $0x7C00;
	[dreg:$0xe] =	wrdreg s11  }
0x1f: {  	s25 =	simm.s32 $0x2;
	[dreg:$0xf] =	wrdreg s6;
	s8 =	sor.u32 @!p0 $0x1C0A, s0  }
0x20: {  	s0 =	simm.s32 $0x8;
	s6 =	simm.s32 $0x0;
	[dreg:$0x12] =	wrdreg s8  }
.LBB2_1:
0x21: {  	s5 =	rddreg [dreg:$0xd]  }
0x22: {  	s7 =	sshrl.u32 @!p0 s5, $0x3;
	s5 =	rddreg [dreg:$0xc]  }
0x23: {  	[dreg:$0x13] =	wrdreg s7  }
0x24: {  	[spmem:s7], [sflag:s8] =	dma.local @!p0 [hbm:s5], $0x3E80  }
0x25: {  	s8 =	simm.s32 @!p0 $0xA  }
0x26: {  	_ =	swait.ge @!p0 [sflag:s8], $0x3E80  }
0x27: {  	[sflag:s8] =	ssyncset.done @!p0 $0x0  }
0x28: {  	[sflag:s8] =	ssyncadd.s32 @!p0 $0xFFFFC180  }
0x29: {  	[bflag:$0x0] =	sbarrier.arrive $0xFFFF  }
0x2a: {  	s11 =	rddreg [dreg:$0x5]  }
0x2b: {  	s9 =	rddreg [dreg:$0x4];
	s8 =	sadd.s32 $0x0, s11  }
0x2c: {  	[tilespmem:s4], [sflag:$0x1] =	stream.linear.gather [hbm4b:s8+s4], $0x50, $0x38;
	[tilespmem:$0x1DC80] =	vst v63  }
0x2d: {  	s10 =	rddreg [dreg:$0xb];
	s5 =	sadd.s32 $0x0, s9  }
0x2e: {  	[tilespmem:s12], [sflag:$0x1] =	stream.linear.gather [hbm4b:s5+s4], $0x50, $0x38;
	[tilespmem:$0x1DC80] =	vst v63  }
0x2f: {  	s7 =	rddreg [dreg:$0xa];
	s10 =	sadd.s32 $0x0, s10  }
0x30: {  	[tilespmem:s13], [sflag:$0x1] =	stream.linear.gather [hbm4b:s10+s4], $0x50, $0x38;
	[tilespmem:$0x1DC80] =	vst v63  }
0x31: {  	s11 =	rddreg [dreg:$0x9];
	s5 =	sadd.s32 $0x0, s7  }
0x32: {  	[tilespmem:s14], [sflag:$0x1] =	stream.linear.gather [hbm4b:s5+s4], $0x50, $0x38;
	[tilespmem:$0x1DC80] =	vst v63  }
0x33: {  	s7 =	rddreg [dreg:$0x8];
	s10 =	sadd.s32 $0x0, s11  }
0x34: {  	[tilespmem:s15], [sflag:$0x1] =	stream.linear.gather [hbm4b:s10+s4], $0x50, $0x38;
	[tilespmem:$0x1DC80] =	vst v63  }
0x35: {  	s11 =	rddreg [dreg:$0x7];
	s5 =	sadd.s32 $0x0, s7  }
0x36: {  	[tilespmem:s16], [sflag:$0x1] =	stream.linear.gather [hbm4b:s5+s4], $0x50, $0x38;
	[tilespmem:$0x1DC80] =	vst v63  }
0x37: {  	s7 =	rddreg [dreg:$0x6];
	s10 =	sadd.s32 $0x0, s11  }
0x38: {  	[tilespmem:s17], [sflag:$0x1] =	stream.linear.gather [hbm4b:s10+s4], $0x50, $0x38;
	[tilespmem:$0x1DC80] =	vst v63  }
0x39: {  	s11 =	sadd.s32 $0x0, s7  }
0x3a: {  	[tilespmem:s18], [sflag:$0x1] =	stream.linear.gather [hbm4b:s11+s4], $0x50, $0x38;
	[tilespmem:$0x1DC80] =	vst v63  }
0x3b: {  	_ =	swait.ge [sflag:s19], $0x50  }
0x3c: {  	[sflag:s19] =	ssyncset.done $0x0  }
0x3d: {  	[sflag:s19] =	ssyncadd.s32 $0xFFFFFFB0  }
0x3e: {  	_ =	swait.ge [sflag:s19], $0x50  }
0x3f: {  	[sflag:s19] =	ssyncset.done $0x0  }
0x40: {  	[sflag:s19] =	ssyncadd.s32 $0xFFFFFFB0  }
0x41: {  	[tilespmem:s21], [sflag:$0x2] =	stream.indirect.gather [hbm4b:s1+s20], $0x80, s4, s20, $0xb8;
	[tilespmem:$0x1DC80] =	vst v63  }
0x42: {  	_ =	swait.ge [sflag:s19], $0x50  }
0x43: {  	[sflag:s19] =	ssyncset.done $0x0  }
0x44: {  	[sflag:s19] =	ssyncadd.s32 $0xFFFFFFB0  }
0x45: {  	_ =	swait.ge [sflag:s19], $0x50  }
0x46: {  	[sflag:s19] =	ssyncset.done $0x0  }
0x47: {  	[sflag:s19] =	ssyncadd.s32 $0xFFFFFFB0  }
0x48: {  	[tilespmem:s22], [sflag:$0x3] =	stream.indirect.gather [hbm4b:s1+s20], $0x80, s13, s20, $0xb8;
	[tilespmem:$0x1DC80] =	vst v63  }
0x49: {  	_ =	swait.ge [sflag:s19], $0x50  }
0x4a: {  	[sflag:s19] =	ssyncset.done $0x0  }
0x4b: {  	[sflag:s19] =	ssyncadd.s32 $0xFFFFFFB0  }
0x4c: {  	_ =	swait.ge [sflag:s19], $0x50  }
0x4d: {  	[sflag:s19] =	ssyncset.done $0x0  }
0x4e: {  	[sflag:s19] =	ssyncadd.s32 $0xFFFFFFB0  }
0x4f: {  	[tilespmem:s23], [sflag:$0x4] =	stream.indirect.gather [hbm4b:s1+s20], $0x80, s15, s20, $0xb8;
	[tilespmem:$0x1DC80] =	vst v63  }
0x50: {  	_ =	swait.ge [sflag:s19], $0x50  }
0x51: {  	[sflag:s19] =	ssyncset.done $0x0  }
0x52: {  	[sflag:s19] =	ssyncadd.s32 $0xFFFFFFB0  }
0x53: {  	_ =	swait.ge [sflag:s19], $0x50  }
0x54: {  	[sflag:s19] =	ssyncset.done $0x0  }
0x55: {  	[sflag:s19] =	ssyncadd.s32 $0xFFFFFFB0  }
0x56: {  	[tilespmem:s24], [sflag:$0x5] =	stream.indirect.gather [hbm4b:s1+s20], $0x80, s17, s20, $0xb8;
	[tilespmem:$0x1DC80] =	vst v63  }
0x57: {  	_ =	swait.ge [sflag:s25], $0x2800  }
0x58: {  	[sflag:s25] =	ssyncset.done $0x0  }
0x59: {  	[sflag:s25] =	ssyncadd.s32 $0xFFFFD800  }
0x5a: {  	[spmem:s2] =	stream.indirect.scatter.add.f32 [tilespmem:s21], [sflag:$0x6], $0x80, s12, s20, $0xb8;
	[tilespmem:$0x1DC80] =	vst v63  }
0x5b: {  	_ =	swait.ge [sflag:s26], $0x2800  }
0x5c: {  	[sflag:s26] =	ssyncset.done $0x0  }
0x5d: {  	[sflag:s26] =	ssyncadd.s32 $0xFFFFD800  }
0x5e: {  	[spmem:s2] =	stream.indirect.scatter.add.f32 [tilespmem:s22], [sflag:$0x7], $0x80, s14, s20, $0xb8;
	[tilespmem:$0x1DC80] =	vst v63  }
0x5f: {  	_ =	swait.ge [sflag:s28], $0x2800  }
0x60: {  	[sflag:s28] =	ssyncset.done $0x0  }
0x61: {  	[sflag:s28] =	ssyncadd.s32 $0xFFFFD800  }
0x62: {  	[spmem:s2] =	stream.indirect.scatter.add.f32 [tilespmem:s23], [sflag:$0x8], $0x80, s16, s20, $0xb8;
	[tilespmem:$0x1DC80] =	vst v63  }
0x63: {  	_ =	swait.ge [sflag:s29], $0x2800  }
0x64: {  	[sflag:s29] =	ssyncset.done $0x0  }
0x65: {  	[sflag:s29] =	ssyncadd.s32 $0xFFFFD800  }
0x66: {  	[spmem:s2] =	stream.indirect.scatter.add.f32 [tilespmem:s24], [sflag:$0x9], $0x80, s18, s20, $0xb8;
	[tilespmem:$0x1DC80] =	vst v63  }
0x67: {  	_ =	swait.ge [sflag:s30], $0x2800  }
0x68: {  	[sflag:s30] =	ssyncset.done $0x0  }
0x69: {  	[sflag:s30] =	ssyncadd.s32 $0xFFFFD800  }
0x6a: {  	_ =	swait.ge [sflag:s31], $0x2800  }
0x6b: {  	[sflag:s31] =	ssyncset.done $0x0  }
0x6c: {  	[sflag:s31] =	ssyncadd.s32 $0xFFFFD800  }
0x6d: {  	_ =	swait.ge [sflag:s0], $0x2800  }
0x6e: {  	[sflag:s0] =	ssyncset.done $0x0  }
0x6f: {  	[sflag:s0] =	ssyncadd.s32 $0xFFFFD800  }
0x70: {  	s9 =	simm.s32 $0x50;
	_ =	swait.ge [sflag:s3], $0x2800  }
0x71: {  	s8 =	simm.s32 $0x28;
	s10 =	rddreg [dreg:$0x5];
	[sflag:s3] =	ssyncset.done $0x0  }
.LBB2_2:
0x72: {  	[sflag:s3] =	ssyncadd.s32 $0xFFFFD800;
	s7 =	rddreg [dreg:$0x4];
	s10 =	sadd.s32 s8, s10  }
0x73: {  	[tilespmem:s4], [sflag:$0x1] =	stream.linear.gather [hbm4b:s10+s4], $0x50, $0x38;
	[tilespmem:$0x1DC80] =	vst v63  }
0x74: {  	s5 =	rddreg [dreg:$0xb];
	s7 =	sadd.s32 s8, s7  }
0x75: {  	[tilespmem:s12], [sflag:$0x1] =	stream.linear.gather [hbm4b:s7+s4], $0x50, $0x38;
	[tilespmem:$0x1DC80] =	vst v63  }
0x76: {  	s10 =	rddreg [dreg:$0xa];
	s5 =	sadd.s32 s8, s5  }
0x77: {  	[tilespmem:s13], [sflag:$0x1] =	stream.linear.gather [hbm4b:s5+s4], $0x50, $0x38;
	[tilespmem:$0x1DC80] =	vst v63  }
0x78: {  	s7 =	rddreg [dreg:$0x9];
	s5 =	sadd.s32 s8, s10  }
0x79: {  	[tilespmem:s14], [sflag:$0x1] =	stream.linear.gather [hbm4b:s5+s4], $0x50, $0x38;
	[tilespmem:$0x1DC80] =	vst v63  }
0x7a: {  	s10 =	rddreg [dreg:$0x8];
	s5 =	sadd.s32 s8, s7  }
0x7b: {  	[tilespmem:s15], [sflag:$0x1] =	stream.linear.gather [hbm4b:s5+s4], $0x50, $0x38;
	[tilespmem:$0x1DC80] =	vst v63  }
0x7c: {  	s7 =	rddreg [dreg:$0x7];
	s5 =	sadd.s32 s8, s10  }
0x7d: {  	[tilespmem:s16], [sflag:$0x1] =	stream.linear.gather [hbm4b:s5+s4], $0x50, $0x38;
	[tilespmem:$0x1DC80] =	vst v63  }
0x7e: {  	s7 =	sadd.s32 s8, s7;
	s10 =	rddreg [dreg:$0x6]  }
0x7f: {  	[tilespmem:s17], [sflag:$0x1] =	stream.linear.gather [hbm4b:s7+s4], $0x50, $0x38;
	[tilespmem:$0x1DC80] =	vst v63  }
0x80: {  	s10 =	sadd.s32 s8, s10  }
0x81: {  	[tilespmem:s18], [sflag:$0x1] =	stream.linear.gather [hbm4b:s10+s4], $0x50, $0x38;
	[tilespmem:$0x1DC80] =	vst v63  }
0x82: {  	_ =	swait.ge [sflag:s19], $0x50  }
0x83: {  	[sflag:s19] =	ssyncset.done $0x0  }
0x84: {  	[sflag:s19] =	ssyncadd.s32 $0xFFFFFFB0  }
0x85: {  	_ =	swait.ge [sflag:s19], $0x50  }
0x86: {  	[sflag:s19] =	ssyncset.done $0x0  }
0x87: {  	[sflag:s19] =	ssyncadd.s32 $0xFFFFFFB0  }
0x88: {  	[tilespmem:s21], [sflag:$0x2] =	stream.indirect.gather [hbm4b:s1+s20], $0x80, s4, s20, $0xb8;
	[tilespmem:$0x1DC80] =	vst v63  }
0x89: {  	_ =	swait.ge [sflag:s19], $0x50  }
0x8a: {  	[sflag:s19] =	ssyncset.done $0x0  }
0x8b: {  	[sflag:s19] =	ssyncadd.s32 $0xFFFFFFB0  }
0x8c: {  	_ =	swait.ge [sflag:s19], $0x50  }
0x8d: {  	[sflag:s19] =	ssyncset.done $0x0  }
0x8e: {  	[sflag:s19] =	ssyncadd.s32 $0xFFFFFFB0  }
0x8f: {  	[tilespmem:s22], [sflag:$0x3] =	stream.indirect.gather [hbm4b:s1+s20], $0x80, s13, s20, $0xb8;
	[tilespmem:$0x1DC80] =	vst v63  }
0x90: {  	_ =	swait.ge [sflag:s19], $0x50  }
0x91: {  	[sflag:s19] =	ssyncset.done $0x0  }
0x92: {  	[sflag:s19] =	ssyncadd.s32 $0xFFFFFFB0  }
0x93: {  	_ =	swait.ge [sflag:s19], $0x50  }
0x94: {  	[sflag:s19] =	ssyncset.done $0x0  }
0x95: {  	[sflag:s19] =	ssyncadd.s32 $0xFFFFFFB0  }
0x96: {  	[tilespmem:s23], [sflag:$0x4] =	stream.indirect.gather [hbm4b:s1+s20], $0x80, s15, s20, $0xb8;
	[tilespmem:$0x1DC80] =	vst v63  }
0x97: {  	_ =	swait.ge [sflag:s19], $0x50  }
0x98: {  	[sflag:s19] =	ssyncset.done $0x0  }
0x99: {  	[sflag:s19] =	ssyncadd.s32 $0xFFFFFFB0  }
0x9a: {  	_ =	swait.ge [sflag:s19], $0x50  }
0x9b: {  	[sflag:s19] =	ssyncset.done $0x0  }
0x9c: {  	[sflag:s19] =	ssyncadd.s32 $0xFFFFFFB0  }
0x9d: {  	[tilespmem:s24], [sflag:$0x5] =	stream.indirect.gather [hbm4b:s1+s20], $0x80, s17, s20, $0xb8;
	[tilespmem:$0x1DC80] =	vst v63  }
0x9e: {  	_ =	swait.ge [sflag:s25], $0x2800  }
0x9f: {  	[sflag:s25] =	ssyncset.done $0x0  }
0xa0: {  	[sflag:s25] =	ssyncadd.s32 $0xFFFFD800  }
0xa1: {  	[spmem:s2] =	stream.indirect.scatter.add.f32 [tilespmem:s21], [sflag:$0x6], $0x80, s12, s20, $0xb8;
	[tilespmem:$0x1DC80] =	vst v63  }
0xa2: {  	_ =	swait.ge [sflag:s26], $0x2800  }
0xa3: {  	[sflag:s26] =	ssyncset.done $0x0  }
0xa4: {  	[sflag:s26] =	ssyncadd.s32 $0xFFFFD800  }
0xa5: {  	[spmem:s2] =	stream.indirect.scatter.add.f32 [tilespmem:s22], [sflag:$0x7], $0x80, s14, s20, $0xb8;
	[tilespmem:$0x1DC80] =	vst v63  }
0xa6: {  	_ =	swait.ge [sflag:s28], $0x2800  }
0xa7: {  	[sflag:s28] =	ssyncset.done $0x0  }
0xa8: {  	[sflag:s28] =	ssyncadd.s32 $0xFFFFD800  }
0xa9: {  	[spmem:s2] =	stream.indirect.scatter.add.f32 [tilespmem:s23], [sflag:$0x8], $0x80, s16, s20, $0xb8;
	[tilespmem:$0x1DC80] =	vst v63  }
0xaa: {  	_ =	swait.ge [sflag:s29], $0x2800  }
0xab: {  	[sflag:s29] =	ssyncset.done $0x0  }
0xac: {  	[sflag:s29] =	ssyncadd.s32 $0xFFFFD800  }
0xad: {  	[spmem:s2] =	stream.indirect.scatter.add.f32 [tilespmem:s24], [sflag:$0x9], $0x80, s18, s20, $0xb8;
	[tilespmem:$0x1DC80] =	vst v63  }
0xae: {  	_ =	swait.ge [sflag:s30], $0x2800  }
0xaf: {  	[sflag:s30] =	ssyncset.done $0x0  }
0xb0: {  	[sflag:s30] =	ssyncadd.s32 $0xFFFFD800  }
0xb1: {  	_ =	swait.ge [sflag:s31], $0x2800  }
0xb2: {  	[sflag:s31] =	ssyncset.done $0x0  }
0xb3: {  	p1 =	sne.s32 s9, $0x4B0;
	[sflag:s31] =	ssyncadd.s32 $0xFFFFD800  }
.Ltmp0:
0xb4: {  	_ =	swait.ge [sflag:s0], $0x2800;
	(pc) =	sbr.rel @p1 .LBB2_2-.Ltmp0, $4  }
0xb5: {  	[sflag:s0] =	ssyncset.done $0x0  }
0xb6: {  	[sflag:s0] =	ssyncadd.s32 $0xFFFFD800  }
0xb7: {  	s11 =	smov.u32 s9;
	s9 =	sadd.s32 $0x28, s9;
	_ =	swait.ge [sflag:s3], $0x2800  }
0xb8: {  	s8 =	smov.u32 s11;
	s10 =	rddreg [dreg:$0x5];
	[sflag:s3] =	ssyncset.done $0x0  }
0xb9: {  	s5 =	rddreg [dreg:$0x4];
	[sflag:s3] =	ssyncadd.s32 $0xFFFFD800;
	s7 =	sadd.s32 s8, s10  }
0xba: {  	[tilespmem:s4], [sflag:$0x1] =	stream.linear.gather [hbm4b:s7+s4], $0x50, $0x38;
	[tilespmem:$0x1DC80] =	vst v63  }
0xbb: {  	s9 =	rddreg [dreg:$0xb];
	s5 =	sadd.s32 s8, s5  }
0xbc: {  	[tilespmem:s12], [sflag:$0x1] =	stream.linear.gather [hbm4b:s5+s4], $0x50, $0x38;
	[tilespmem:$0x1DC80] =	vst v63  }
0xbd: {  	s10 =	rddreg [dreg:$0xa];
	s7 =	sadd.s32 s8, s9  }
0xbe: {  	[tilespmem:s13], [sflag:$0x1] =	stream.linear.gather [hbm4b:s7+s4], $0x50, $0x38;
	[tilespmem:$0x1DC80] =	vst v63  }
0xbf: {  	s11 =	rddreg [dreg:$0x9];
	s5 =	sadd.s32 s8, s10  }
0xc0: {  	[tilespmem:s14], [sflag:$0x1] =	stream.linear.gather [hbm4b:s5+s4], $0x50, $0x38;
	[tilespmem:$0x1DC80] =	vst v63  }
0xc1: {  	s9 =	rddreg [dreg:$0x8];
	s7 =	sadd.s32 s8, s11  }
0xc2: {  	[tilespmem:s15], [sflag:$0x1] =	stream.linear.gather [hbm4b:s7+s4], $0x50, $0x38;
	[tilespmem:$0x1DC80] =	vst v63  }
0xc3: {  	s10 =	rddreg [dreg:$0x7];
	s5 =	sadd.s32 s8, s9  }
0xc4: {  	[tilespmem:s16], [sflag:$0x1] =	stream.linear.gather [hbm4b:s5+s4], $0x50, $0x38;
	[tilespmem:$0x1DC80] =	vst v63  }
0xc5: {  	s11 =	rddreg [dreg:$0x6];
	s7 =	sadd.s32 s8, s10  }
0xc6: {  	[tilespmem:s17], [sflag:$0x1] =	stream.linear.gather [hbm4b:s7+s4], $0x50, $0x38;
	[tilespmem:$0x1DC80] =	vst v63  }
0xc7: {  	s5 =	sadd.s32 s8, s11  }
0xc8: {  	[tilespmem:s18], [sflag:$0x1] =	stream.linear.gather [hbm4b:s5+s4], $0x50, $0x38;
	[tilespmem:$0x1DC80] =	vst v63  }
0xc9: {  	_ =	swait.ge [sflag:s19], $0x50  }
0xca: {  	[sflag:s19] =	ssyncset.done $0x0  }
0xcb: {  	[sflag:s19] =	ssyncadd.s32 $0xFFFFFFB0  }
0xcc: {  	_ =	swait.ge [sflag:s19], $0x50  }
0xcd: {  	[sflag:s19] =	ssyncset.done $0x0  }
0xce: {  	[sflag:s19] =	ssyncadd.s32 $0xFFFFFFB0  }
0xcf: {  	[tilespmem:s21], [sflag:$0x2] =	stream.indirect.gather [hbm4b:s1+s20], $0x80, s4, s20, $0xb8;
	[tilespmem:$0x1DC80] =	vst v63  }
0xd0: {  	_ =	swait.ge [sflag:s19], $0x50  }
0xd1: {  	[sflag:s19] =	ssyncset.done $0x0  }
0xd2: {  	[sflag:s19] =	ssyncadd.s32 $0xFFFFFFB0  }
0xd3: {  	_ =	swait.ge [sflag:s19], $0x50  }
0xd4: {  	[sflag:s19] =	ssyncset.done $0x0  }
0xd5: {  	[sflag:s19] =	ssyncadd.s32 $0xFFFFFFB0  }
0xd6: {  	[tilespmem:s22], [sflag:$0x3] =	stream.indirect.gather [hbm4b:s1+s20], $0x80, s13, s20, $0xb8;
	[tilespmem:$0x1DC80] =	vst v63  }
0xd7: {  	_ =	swait.ge [sflag:s19], $0x50  }
0xd8: {  	[sflag:s19] =	ssyncset.done $0x0  }
0xd9: {  	[sflag:s19] =	ssyncadd.s32 $0xFFFFFFB0  }
0xda: {  	_ =	swait.ge [sflag:s19], $0x50  }
0xdb: {  	[sflag:s19] =	ssyncset.done $0x0  }
0xdc: {  	[sflag:s19] =	ssyncadd.s32 $0xFFFFFFB0  }
0xdd: {  	[tilespmem:s23], [sflag:$0x4] =	stream.indirect.gather [hbm4b:s1+s20], $0x80, s15, s20, $0xb8;
	[tilespmem:$0x1DC80] =	vst v63  }
0xde: {  	_ =	swait.ge [sflag:s19], $0x50  }
0xdf: {  	[sflag:s19] =	ssyncset.done $0x0  }
0xe0: {  	[sflag:s19] =	ssyncadd.s32 $0xFFFFFFB0  }
0xe1: {  	_ =	swait.ge [sflag:s19], $0x50  }
0xe2: {  	[sflag:s19] =	ssyncset.done $0x0  }
0xe3: {  	[sflag:s19] =	ssyncadd.s32 $0xFFFFFFB0  }
0xe4: {  	[tilespmem:s24], [sflag:$0x5] =	stream.indirect.gather [hbm4b:s1+s20], $0x80, s17, s20, $0xb8;
	[tilespmem:$0x1DC80] =	vst v63  }
0xe5: {  	_ =	swait.ge [sflag:s25], $0x2800  }
0xe6: {  	[sflag:s25] =	ssyncset.done $0x0  }
0xe7: {  	[sflag:s25] =	ssyncadd.s32 $0xFFFFD800  }
0xe8: {  	[spmem:s2] =	stream.indirect.scatter.add.f32 [tilespmem:s21], [sflag:$0x6], $0x80, s12, s20, $0xb8;
	[tilespmem:$0x1DC80] =	vst v63  }
0xe9: {  	_ =	swait.ge [sflag:s26], $0x2800  }
0xea: {  	[sflag:s26] =	ssyncset.done $0x0  }
0xeb: {  	[sflag:s26] =	ssyncadd.s32 $0xFFFFD800  }
0xec: {  	[spmem:s2] =	stream.indirect.scatter.add.f32 [tilespmem:s22], [sflag:$0x7], $0x80, s14, s20, $0xb8;
	[tilespmem:$0x1DC80] =	vst v63  }
0xed: {  	_ =	swait.ge [sflag:s28], $0x2800  }
0xee: {  	[sflag:s28] =	ssyncset.done $0x0  }
0xef: {  	[sflag:s28] =	ssyncadd.s32 $0xFFFFD800  }
0xf0: {  	[spmem:s2] =	stream.indirect.scatter.add.f32 [tilespmem:s23], [sflag:$0x8], $0x80, s16, s20, $0xb8;
	[tilespmem:$0x1DC80] =	vst v63  }
0xf1: {  	_ =	swait.ge [sflag:s29], $0x2800  }
0xf2: {  	[sflag:s29] =	ssyncset.done $0x0  }
0xf3: {  	[sflag:s29] =	ssyncadd.s32 $0xFFFFD800  }
0xf4: {  	[spmem:s2] =	stream.indirect.scatter.add.f32 [tilespmem:s24], [sflag:$0x9], $0x80, s18, s20, $0xb8;
	[tilespmem:$0x1DC80] =	vst v63  }
0xf5: {  	_ =	swait.ge [sflag:s30], $0x2800  }
0xf6: {  	[sflag:s30] =	ssyncset.done $0x0  }
0xf7: {  	[sflag:s30] =	ssyncadd.s32 $0xFFFFD800  }
0xf8: {  	_ =	swait.ge [sflag:s31], $0x2800  }
0xf9: {  	[sflag:s31] =	ssyncset.done $0x0  }
0xfa: {  	[sflag:s31] =	ssyncadd.s32 $0xFFFFD800  }
0xfb: {  	_ =	swait.ge [sflag:s0], $0x2800  }
0xfc: {  	[sflag:s0] =	ssyncset.done $0x0  }
0xfd: {  	[sflag:s0] =	ssyncadd.s32 $0xFFFFD800  }
0xfe: {  	_ =	swait.ge [sflag:s3], $0x2800  }
0xff: {  	[sflag:s3] =	ssyncset.done $0x0  }
0x100: {  	s9 =	simm.s32 $0xA;
	s8 =	rddreg [dreg:$0xe];
	[sflag:s3] =	ssyncadd.s32 $0xFFFFD800  }
0x101: {  	[tilespmem:s4], [sflag:$0xA] =	stream.linear.gather [hbm4b:s8+s4], $0x50, $0x38;
	[tilespmem:$0x1DC80] =	vst v63  }
0x102: {  	_ =	swait.ge [sflag:s9], $0x50  }
0x103: {  	[sflag:s9] =	ssyncset.done $0x0  }
0x104: {  	s10 =	rddreg [dreg:$0xf];
	[sflag:s9] =	ssyncadd.s32 $0xFFFFFFB0  }
0x105: {  	[tilespmem:s12], [sflag:$0xA] =	stream.linear.gather [hbm4b:s10+s4], $0x50, $0x38;
	[tilespmem:$0x1DC80] =	vst v63  }
0x106: {  	_ =	swait.ge [sflag:s9], $0x50  }
0x107: {  	[sflag:s9] =	ssyncset.done $0x0  }
0x108: {  	[sflag:s9] =	ssyncadd.s32 $0xFFFFFFB0  }
0x109: {  	[tilespmem:s21], [sflag:$0x2] =	stream.indirect.gather [hbm4b:s1+s20], $0x80, s4, s20, $0xb8;
	[tilespmem:$0x1DC80] =	vst v63  }
0x10a: {  	_ =	swait.ge [sflag:s25], $0x2800  }
0x10b: {  	[sflag:s25] =	ssyncset.done $0x0  }
0x10c: {  	[sflag:s25] =	ssyncadd.s32 $0xFFFFD800  }
0x10d: {  	[spmem:s2] =	stream.indirect.scatter.add.f32 [tilespmem:s21], [sflag:$0xA], $0x80, s12, s20, $0xb8;
	[tilespmem:$0x1DC80] =	vst v63  }
0x10e: {  	_ =	swait.ge [sflag:s9], $0x2800  }
0x10f: {  	[sflag:s9] =	ssyncset.done $0x0  }
0x110: {  	[sflag:s9] =	ssyncadd.s32 $0xFFFFD800  }
0x111: {  	[bflag:$0x0] =	sbarrier.arrive $0xFFFF  }
0x112: {  	s5 =	rddreg [dreg:$0x10]  }
0x113: {  	s8 =	rddreg [dreg:$0x12]  }
0x114: {  	s7 =	rddreg [dreg:$0x13]  }
0x115: {  	[hbm:s5], [sflag:s8] =	dma.local @!p0 [spmem:s7], $0x3E80  }
0x116: {  	s5 =	simm.s32 @!p0 $0xA  }
0x117: {  	_ =	swait.ge @!p0 [sflag:s5], $0x3E80  }
0x118: {  	s6 =	sadd.s32 $0x1, s6;
	s11 =	rddreg [dreg:$0x11]  }
0x119: {  	p1 =	sne.s32 s6, s11  }
.Ltmp1:
0x11a: {  	_ = 	snop;
	(pc) =	sbr.rel @p1 .LBB2_1-.Ltmp1, $3  }
0x11b: {  	_ =	sdelay $0x1  }
0x11c: {  	[sflag:s5] =	ssyncset.done @!p0 $0x0  }
0x11d: {  	[sflag:s5] =	ssyncadd.s32 @!p0 $0xFFFFC180  }
0x11e: {  	_ =	sfence.sel $0x180000  }
0x11f: {  	[bflag:$0x0] =	sbarrier.arrive $0xFFFF  }
0x120: {  	_ =	strace $0x9000004D  }
0x121: {  	s0 =	stileid.u32;
	[bflag:$0x2] =	sbarrier.arrive $0xFFFF  }
0x122: {  	p0 =	sne.s32 s0, $0x0;
	s0 =	rddreg [dreg:$0x3]  }
0x123: {  	s0 =	sadd.s32 @!p0 $0x100000, s0  }
0x124: {  	[sflag:s0] =	ssyncadd.tile.s32 @!p0 $0x1;
	_ =	shalt  }
.Lfunc_end2:
_tile_overlayer_lowered:
.L_overlay_start_2:
0x125: {  	(tag) =	ssettag $0x2  }
0x126: {  	s0 =	rddreg [dreg:$0x0];
	s2 =	stileid.u32  }
0x127: {  	s1 =	rddreg [dreg:$0x1];
	p0 =	sne.s32 s2, $0x0  }
0x128: {  	s3 =	rddreg [dreg:$0x2];
	[bflag:$0x3] =	sbarrier.arrive $0xFFFF;
	s2 =	simm.s32 @!p0 $0x1C0A  }
0x129: {  	[timem:s3], [sflag:s2] =	dma.local @!p0 [hbm:s0], s1  }
0x12a: {  	s0 =	simm.s32 @!p0 $0xA  }
0x12b: {  	_ =	swait.ge @!p0 [sflag:s0], s1  }
0x12c: {  	s1 =	ssub.s32 @!p0 $0x0, s1;
	[sflag:s0] =	ssyncset.done @!p0 $0x0  }
0x12d: {  	[sflag:s0] =	ssyncadd.s32 @!p0 s1  }
0x12e: {  	[bflag:$0x3] =	sbarrier.arrive $0xFFFF  }
0x12f: {  	_ =	shalt  }

// kernel: kernel.8.cloned.1.call-start
scs
__scs_entry_jumppad:
0x0: {  	(pc) =	sbr.rel $0x88, $3  }
0x1: {  	(tag) =	ssettag $0x0;
	lr =	simm.s32 $0x1  }
0x2: {  	[smem:$0x3F9B] =	sst lr;
	_ =	strace $0xD0000000  }
0x3: {  	_ = 	snop  }
0x4: {  	_ = 	snop  }
0x5: {  	_ = 	snop  }
0x6: {  	_ = 	snop  }
0x7: {  	_ = 	snop  }
__scs_overlays_trampoline_lowered:
0x8: {  	[smem:$0x3FAA] =	sst s0  }
0x9: {  	[smem:$0x3FAB] =	sst s1  }
0xa: {  	[smem:$0x3FAC] =	sst s2  }
0xb: {  	[smem:$0x3FAD] =	sst s3  }
0xc: {  	[smem:$0x3FAE] =	sst s4  }
0xd: {  	[smem:$0x3FAF] =	sst s5  }
0xe: {  	[smem:$0x3FB0] =	sst s6  }
0xf: {  	[smem:$0x3FB1] =	sst s7  }
0x10: {  	[smem:$0x3FB2] =	sst s8  }
0x11: {  	[smem:$0x3FB3] =	sst s9;
	s0 =	simm.s32 @!p0 $0x0  }
0x12: {  	s1 =	sld [smem:$0x3F99];
	s0 =	simm.s32 @p0 $0x1  }
0x13: {  	[smem:$0x3FB4] =	sst s0;
	s0 =	simm.s32 @!p1 $0x0  }
0x14: {  	s2 =	sld [smem:$0x3F98];
	s0 =	simm.s32 @p1 $0x1  }
0x15: {  	[smem:$0x3FB5] =	sst s0;
	s0 =	simm.s32 @!p2 $0x0  }
0x16: {  	s3 =	sld [smem:$0x3FDB];
	s0 =	simm.s32 @p2 $0x1  }
0x17: {  	s4 =	simm.s32 $0x1BF5;
	[smem:$0x3FB7] =	sst s0  }
0x18: {  	s0 =	sld [smem:$0x3F9A];
	_ =	swait.ge [sflag:s4], $0x0  }
0x19: {  	s7 =	sld [smem:$0x3F9B]  }
0x1a: {  	s8 =	sadd.s32 $0xFFFFE003, lr  }
0x1b: {  	s9 =	sadd.s32 $0xFFFFFEF7, lr;
	s5 =	simm.s32 $0xFFFFFFFF;
	p2 =	slt.u32 s8, $0xFFFFF086  }
0x1c: {  	p1 =	slt.u32 s9, $0xF7A;
	s5 =	simm.s32 @!p2 $0x0  }
0x1d: {  	s5 =	simm.s32 @p1 $0x1;
	p0 =	seq.s32 s7, s2  }
0x1e: {  	s7 =	smul.u32 @!p0 $0xF7A, s2;
	p2 =	seq.s32 @!p0 s5, $0x0  }
0x1f: {  	s9 =	smul.u32 $0xF7A, s1;
	s8 =	simm.s32 @!p0 $0x1BF5;
	p2 =	por !p2, p0  }
0x20: {  	[sflag:s8] =	ssyncset.s32 @!p0 $0xFFFFF086;
	s6 =	sadd.s32 @!p0 s3, s7;
	s7 =	simm.s32 @!p0 $0x108  }
0x21: {  	s3 =	sadd.s32 s3, s9;
	s6 =	sadd.s32 @!p0 $0x88, s6;
	s7 =	simm.s32 @p2 $0x1082  }
0x22: {  	[simem:s7], [sflag:s8] =	dma.local @!p0 [hbm:s6], $0xF7A  }
0x23: {  	s9 =	sor.u32 $0xD0000000, s2;
	s6 =	simm.s32 $0x108;
	_ =	swait.ge @!p0 [sflag:s8], $0x0  }
0x24: {  	s3 =	sadd.s32 $0x88, s3;
	s6 =	simm.s32 @!p1 $0x1082;
	[sflag:s4] =	ssyncset.s32 $0xFFFFF086  }
0x25: {  	[simem:s6], [sflag:s4] =	dma.local [hbm:s3], $0xF7A  }
0x26: {  	[smem:$0x3F9B] =	sst s1;
	(tag) =	ssettag s2;
	_ =	strace s9  }
0x27: {  	s1 =	sld [smem:$0x3FAB]  }
0x28: {  	s2 =	sld [smem:$0x3FAC]  }
0x29: {  	s4 =	sld [smem:$0x3FAE]  }
0x2a: {  	p0 =	seq.s32 s5, $0x0;
	s5 =	sld [smem:$0x3FAF]  }
0x2b: {  	s6 =	sld [smem:$0x3FB0]  }
0x2c: {  	s7 =	sld [smem:$0x3FB1]  }
0x2d: {  	s3 =	simm.s32 $0x108;
	s8 =	sld [smem:$0x3FB2]  }
0x2e: {  	s3 =	simm.s32 @!p0 $0x1082;
	s9 =	sld [smem:$0x3FB3]  }
0x2f: {  	lr =	sadd.s32 s0, s3;
	s0 =	sld [smem:$0x3FAA]  }
0x30: {  	s3 =	sld [smem:$0x3FAD]  }
0x31: {  	[smem:$0x3FB6] =	sst s10  }
0x32: {  	s10 =	sld [smem:$0x3FB4];
	_ =	sdelay $0x3  }
0x33: {  	p0 =	seq.s32 s10, $0x1;
	s10 =	sld [smem:$0x3FB6];
	_ =	sdelay $0x3  }
0x34: {  	[smem:$0x3FB6] =	sst s10  }
0x35: {  	s10 =	sld [smem:$0x3FB5];
	_ =	sdelay $0x3  }
0x36: {  	p1 =	seq.s32 s10, $0x1;
	s10 =	sld [smem:$0x3FB6];
	_ =	sdelay $0x3  }
0x37: {  	[smem:$0x3FB6] =	sst s10  }
0x38: {  	s10 =	sld [smem:$0x3FB7]  }
0x39: {  	_ = 	snop;
	(pc) =	sbr.ind lr, $3  }
0x3a: {  	_ = 	snop  }
0x3b: {  	_ = 	snop  }
0x3c: {  	p2 =	seq.s32 s10, $0x1;
	s10 =	sld [smem:$0x3FB6]  }
0x3d: {  	_ =	shalt  }
0x3e: {  	_ =	shalt  }
0x3f: {  	_ =	shalt  }
0x40: {  	_ =	shalt  }
0x41: {  	_ =	shalt  }
0x42: {  	_ =	shalt  }
0x43: {  	_ =	shalt  }
0x44: {  	_ =	shalt  }
0x45: {  	_ =	shalt  }
0x46: {  	_ =	shalt  }
0x47: {  	_ =	shalt  }
0x48: {  	_ =	shalt  }
0x49: {  	_ =	shalt  }
0x4a: {  	_ =	shalt  }
0x4b: {  	_ =	shalt  }
0x4c: {  	_ =	shalt  }
0x4d: {  	_ =	shalt  }
0x4e: {  	_ =	shalt  }
0x4f: {  	_ =	shalt  }
0x50: {  	_ =	shalt  }
0x51: {  	_ =	shalt  }
0x52: {  	_ =	shalt  }
0x53: {  	_ =	shalt  }
0x54: {  	_ =	shalt  }
0x55: {  	_ =	shalt  }
0x56: {  	_ =	shalt  }
0x57: {  	_ =	shalt  }
0x58: {  	_ =	shalt  }
0x59: {  	_ =	shalt  }
0x5a: {  	_ =	shalt  }
0x5b: {  	_ =	shalt  }
0x5c: {  	_ =	shalt  }
0x5d: {  	_ =	shalt  }
0x5e: {  	_ =	shalt  }
0x5f: {  	_ =	shalt  }
0x60: {  	_ =	shalt  }
0x61: {  	_ =	shalt  }
0x62: {  	_ =	shalt  }
0x63: {  	_ =	shalt  }
0x64: {  	_ =	shalt  }
0x65: {  	_ =	shalt  }
0x66: {  	_ =	shalt  }
0x67: {  	_ =	shalt  }
0x68: {  	_ =	shalt  }
0x69: {  	_ =	shalt  }
0x6a: {  	_ =	shalt  }
0x6b: {  	_ =	shalt  }
0x6c: {  	_ =	shalt  }
0x6d: {  	_ =	shalt  }
0x6e: {  	_ =	shalt  }
0x6f: {  	_ =	shalt  }
0x70: {  	_ =	shalt  }
0x71: {  	_ =	shalt  }
0x72: {  	_ =	shalt  }
0x73: {  	_ =	shalt  }
0x74: {  	_ =	shalt  }
0x75: {  	_ =	shalt  }
0x76: {  	_ =	shalt  }
0x77: {  	_ =	shalt  }
0x78: {  	_ =	shalt  }
0x79: {  	_ =	shalt  }
0x7a: {  	_ =	shalt  }
0x7b: {  	_ =	shalt  }
0x7c: {  	_ =	shalt  }
0x7d: {  	_ =	shalt  }
0x7e: {  	_ =	shalt  }
0x7f: {  	_ =	shalt  }
0x80: {  	_ =	shalt  }
0x81: {  	_ =	shalt  }
0x82: {  	_ =	shalt  }
0x83: {  	_ =	shalt  }
0x84: {  	_ =	shalt  }
0x85: {  	_ =	shalt  }
0x86: {  	_ =	shalt  }
0x87: {  	_ =	shalt  }
.Lfunc_end0:
.L_simem_size_0:
called_computation_lowered:
.L_overlay_start_0:
0x88: {  	s2 =	sld [smem:$0x3FD9]  }
0x89: {  	s3 =	sld [smem:$0x3FFE];
	_ =	sdelay $0x1  }
0x8a: {  	s1 =	srdreg.scid  }
0x8b: {  	s0 =	sand.u32 $0x1, s1  }
0x8c: {  	s17 =	sshll.u32 s0, $0xA;
	s2 =	sadd.s32 s3, s2  }
0x8d: {  	s2 =	sadd.s32 s2, s17  }
0x8e: {  	[smem:$0x3FC2] =	sst s2  }
0x8f: {  	_ = 	snop  }
0x90: {  	s2 =	sld [smem:$0x3FD0];
	(tm) =	ssettm $0x1  }
0x91: {  	s18 =	sld [smem:$0x3FFB];
	_ =	sdelay $0x3  }
0x92: {  	_ =	strace s18  }
0x93: {  	s3 =	sld [smem:$0x3FFC];
	_ =	sdelay $0x3  }
0x94: {  	_ =	strace s3  }
0x95: {  	s3 =	sld [smem:$0x3FFD];
	_ =	sdelay $0x3  }
0x96: {  	_ =	strace s3  }
0x97: {  	_ =	strace $0x8FFFFFFF  }
0x98: {  	s19 =	sld [smem:$0x3FDB];
	_ =	sdelay $0x1  }
0x99: {  	s4 =	simm.s32 $_scs_section_size  }
0x9a: {  	s5 =	simm.s32 $_size__tile_overlayer_lowered;
	s6 =	simm.s32 $_tile_overlayer_lowered  }
0x9b: {  	s22 =	simm.s32 $0x1BFF;
	s21 =	sshll.u32 s6, $0x1;
	s3 =	sadd.s32 s4, s19  }
0x9c: {  	s7 =	simm.s32 $0x0;
	s20 =	sshll.u32 s5, $0x1;
	s5 =	sadd.s32 s21, s3  }
0x9d: {  	[timem:s7], [sflag:s22] =	dma.local [hbm:s5], s20  }
0x9e: {  	_ =	swait.ge [sflag:s22], s20  }
0x9f: {  	s4 =	ssub.s32 $0x0, s20;
	[sflag:s22] =	ssyncset.done $0x0  }
0xa0: {  	[sflag:s22] =	ssyncadd.s32 s4;
	_ =	sdelay $0x1  }
0xa1: {  	s23 =	simm.s32 $0x1B8B  }
0xa2: {  	_ =	swait.ge [sflag:s23], $0x1  }
0xa3: {  	[sflag:s23] =	ssyncset.done $0x0  }
0xa4: {  	s25 =	simm.s32 $0x1B8E;
	s24 =	sld [smem:$0x3FFE];
	[sflag:s23] =	ssyncadd.s32 $0xFFFFFFFF  }
0xa5: {  	s26 =	simm.s32 $execute0_lowered;
	[smem:$0x3FD2] =	sst s25  }
0xa6: {  	s5 =	sshll.u32 s26, $0x1;
	_ =	strace $0x80000046;
	[dreg:$0x1] =	wrdreg $0xFFFFFFFF  }
0xa7: {  	s28 =	simm.s32 $_size_execute0_lowered;
	s3 =	sadd.s32 s3, s5;
	[dreg:$0x0] =	wrdreg $0x0  }
0xa8: {  	s5 =	sshll.u32 s28, $0x1;
	[dreg:$0x2] =	wrdreg s3  }
0xa9: {  	[dreg:$0x3] =	wrdreg s5  }
0xaa: {  	[dreg:$0x4] =	wrdreg $0xC0  }
0xab: {  	_ =	task [dreg:s7], $0x5FFFF  }
0xac: {  	[dreg:$0x1] =	wrdreg $0xFFFFFFFF  }
0xad: {  	[dreg:$0x0] =	wrdreg $0x60  }
0xae: {  	[dreg:$0x2] =	wrdreg s24  }
0xaf: {  	[dreg:$0x3] =	wrdreg s2  }
0xb0: {  	[dreg:$0x4] =	wrdreg $0x28800  }
0xb1: {  	[dreg:$0x5] =	wrdreg $0x9  }
0xb2: {  	_ =	task.clear_ibuf [dreg:s7], $0x6FFFF;
	_ =	strace $0x90000046  }
0xb3: {  	s29 =	simm.s32 $0x9;
	_ =	strace $0x80000048  }
0xb4: {  	_ =	swait.ge [sflag:s29], $0x1  }
0xb5: {  	[sflag:s29] =	ssyncadd.s32 $0xFFFFFFFF  }
0xb6: {  	_ =	strace $0x90000048  }
0xb7: {  	_ =	sfence  }
0xb8: {  	s30 =	sld [smem:$0x0];
	_ =	sdelay $0x2  }
0xb9: {  	s31 =	sshll.u32 s1, $0xD;
	s1 =	sshrl.u32 s1, $0x2  }
0xba: {  	s3 =	sand.u32 $0x4000, s31;
	s1 =	sadd.s32 s1, s30  }
0xbb: {  	s0 =	sor.u32 s3, s0;
	s1 =	sshll.u32 s1, $0x11  }
0xbc: {  	s0 =	sor.u32 s1, s0  }
0xbd: {  	s0 =	sadd.s32 $0x8F2B, s0  }
0xbe: {  	[sflag:s0] =	ssyncadd.remote.s32 $0x1  }
0xbf: {  	_ =	sfence.sel $0xFFFF  }
0xc0: {  	[dreg:$0x0] =	wrdreg $0xFFFFFFFF;
	(pc) =	sbr.abs _section_cstart, $3  }
0xc1: {  	[dreg:$0x1] =	wrdreg $0xFFFFFFFF  }
0xc2: {  	_ =	task.clear_ibuf [dreg:s7], $0x2FFFF;
	_ =	strace $0x9FFFFFFF  }
0xc3: {  	(tm) =	ssettm $0x7FFFFFFF  }
tec
execute0_lowered:
.L_overlay_start_1:
0x0: {  	(tag) =	ssettag $0x1  }
0x1: {  	s6 =	rddreg [dreg:$0x0]  }
0x2: {  	s2 =	rddreg [dreg:$0x1]  }
0x3: {  	s0 =	srdreg.scid;
	s3 =	rddreg [dreg:$0x2]  }
0x4: {  	s1 =	rddreg [dreg:$0x3];
	s5 =	sand.u32 $0x1, s0  }
0x5: {  	s0 =	stileid.u32;
	s7 =	smul.u32 $0x27100, s5  }
0x6: {  	s4 =	simm.s32 $0x0;
	s12 =	simm.s32 $0x2800;
	s8 =	smul.u32 $0x2710, s0  }
0x7: {  	s13 =	simm.s32 $0x50;
	[smem:$0x7FF] =	sst s4;
	s25 =	smul.u32 $0x138800, s5  }
0x8: {  	s14 =	simm.s32 $0x0;
	s9 =	smul.u32 $0x1F400, s0;
	_ =	strace $0x80000047  }
0x9: {  	s28 =	ssub.s32 $0x2, s5;
	s29 =	smul.u32 $0x7D000, s0;
	s5 =	sadd.s32 $0x17000, s6  }
0xa: {  	p0 =	sgt.u32 s0, $0x9;
	s11 =	sshrl.u32 s28, $0x1;
	s7 =	sadd.s32 s8, s7  }
0xb: {  	s26 =	sadd.s32 s9, s25;
	s30 =	ssub.s32 s28, s11;
	s31 =	sshrl.u32 s29, $0x2  }
0xc: {  	s9 =	sshll.u32 @!p0 s0, $0x6;
	s7 =	sshrl.u32 s7, $0x3;
	s11 =	sadd.s32 s31, s3  }
0xd: {  	s9 =	sor.u32 @!p0 $0x1C01, s9;
	s10 =	sadd.s32 s7, s6;
	s7 =	sshrl.u32 s26, $0x3  }
0xe: {  	s6 =	sadd.s32 s7, s6;
	s7 =	smax.u32 s30, $0x1;
	s8 =	sadd.s32 $0xD200, s10  }
0xf: {  	s10 =	sshrl.u32 @!p0 s11, $0x3;
	s11 =	simm.s32 $0x1;
	s6 =	sadd.s32 $0x1B000, s6  }
.LBB2_1:
0x10: {  	[spmem:s10], [sflag:s9] =	dma.local @!p0 [hbm:s5], $0x3E80  }
0x11: {  	s15 =	simm.s32 @!p0 $0x1  }
0x12: {  	_ =	swait.ge @!p0 [sflag:s15], $0x3E80  }
0x13: {  	[sflag:s15] =	ssyncset.done @!p0 $0x0  }
0x14: {  	[sflag:s15] =	ssyncadd.s32 @!p0 $0xFFFFC180  }
0x15: {  	[tilespmem:s4], [sflag:$0x1] =	stream.linear.gather [hbm4b:s2+s4], $0x2800, $0x38;
	[tilespmem:$0x16100] =	vst v63  }
0x16: {  	_ =	swait.ge [sflag:s11], $0x2800  }
0x17: {  	[sflag:s11] =	ssyncset.done $0x0  }
0x18: {  	[sflag:s11] =	ssyncadd.s32 $0xFFFFD800  }
0x19: {  	s31 =	sadd.s32 $0x0, s8;
	[bflag:$0x0] =	sbarrier.arrive $0xFFFF  }
0x1a: {  	[tilespmem:s12], [sflag:$0x1] =	stream.linear.gather [hbm4b:s31+s4], $0x50, $0x38;
	[tilespmem:$0x16100] =	vst v63  }
0x1b: {  	_ =	swait.ge [sflag:s11], $0x50  }
0x1c: {  	[sflag:s11] =	ssyncset.done $0x0  }
0x1d: {  	[sflag:s11] =	ssyncadd.s32 $0xFFFFFFB0  }
0x1e: {  	[spmem:s3] =	stream.indirect.scatter.add.f32 [tilespmem:s4], [sflag:$0x1], $0x80, s12, s13, $0xb8;
	[tilespmem:$0x16100] =	vst v63  }
0x1f: {  	_ =	swait.ge [sflag:s11], $0x2800  }
0x20: {  	s16 =	simm.s32 $0x14;
	s15 =	simm.s32 $0xA;
	[sflag:s11] =	ssyncset.done $0x0  }
.LBB2_2:
0x21: {  	s17 =	sadd.s32 s15, s8  }
0x22: {  	[sflag:s11] =	ssyncadd.s32 $0xFFFFD800;
	s15 =	smov.u32 s16;
	s18 =	sadd.s32 $0xA, s16  }
0x23: {  	[tilespmem:s12], [sflag:$0x1] =	stream.linear.gather [hbm4b:s17+s4], $0x50, $0x38;
	[tilespmem:$0x16100] =	vst v63  }
0x24: {  	p1 =	sne.s32 s16, $0x4D8;
	_ =	swait.ge [sflag:s11], $0x50  }
.Ltmp0:
0x25: {  	[sflag:s11] =	ssyncset.done $0x0;
	(pc) =	sbr.rel @p1 .LBB2_2-.Ltmp0, $4  }
0x26: {  	[sflag:s11] =	ssyncadd.s32 $0xFFFFFFB0  }
0x27: {  	[spmem:s3] =	stream.indirect.scatter.add.f32 [tilespmem:s4], [sflag:$0x1], $0x80, s12, s13, $0xb8;
	[tilespmem:$0x16100] =	vst v63  }
0x28: {  	_ =	swait.ge [sflag:s11], $0x2800  }
0x29: {  	s16 =	smov.u32 s18;
	[sflag:s11] =	ssyncset.done $0x0  }
0x2a: {  	s15 =	sadd.s32 s15, s8;
	[sflag:s11] =	ssyncadd.s32 $0xFFFFD800  }
0x2b: {  	[tilespmem:s12], [sflag:$0x1] =	stream.linear.gather [hbm4b:s15+s4], $0x50, $0x38;
	[tilespmem:$0x16100] =	vst v63  }
0x2c: {  	_ =	swait.ge [sflag:s11], $0x50  }
0x2d: {  	[sflag:s11] =	ssyncset.done $0x0  }
0x2e: {  	[sflag:s11] =	ssyncadd.s32 $0xFFFFFFB0  }
0x2f: {  	[spmem:s3] =	stream.indirect.scatter.add.f32 [tilespmem:s4], [sflag:$0x1], $0x80, s12, s13, $0xb8;
	[tilespmem:$0x16100] =	vst v63  }
0x30: {  	_ =	swait.ge [sflag:s11], $0x2800  }
0x31: {  	s14 =	sadd.s32 $0x1, s14;
	[sflag:s11] =	ssyncset.done $0x0  }
0x32: {  	p1 =	sne.s32 s14, s7;
	[sflag:s11] =	ssyncadd.s32 $0xFFFFD800  }
.Ltmp1:
0x33: {  	s15 =	simm.s32 @!p0 $0x1;
	[bflag:$0x0] =	sbarrier.arrive $0xFFFF;
	(pc) =	sbr.rel @p1 .LBB2_1-.Ltmp1, $4  }
0x34: {  	[hbm:s6], [sflag:s9] =	dma.local @!p0 [spmem:s10], $0x3E80  }
0x35: {  	_ =	swait.ge @!p0 [sflag:s15], $0x3E80  }
0x36: {  	[sflag:s15] =	ssyncset.done @!p0 $0x0  }
0x37: {  	[sflag:s15] =	ssyncadd.s32 @!p0 $0xFFFFC180  }
0x38: {  	_ =	sfence.sel $0x180000  }
0x39: {  	[bflag:$0x0] =	sbarrier.arrive $0xFFFF  }
0x3a: {  	p0 =	sne.s32 s0, $0x0;
	_ =	strace $0x90000047  }
0x3b: {  	s0 =	sadd.s32 @!p0 $0x100000, s1;
	[bflag:$0x2] =	sbarrier.arrive $0xFFFF  }
0x3c: {  	[sflag:s0] =	ssyncadd.tile.s32 @!p0 $0x1;
	_ =	shalt  }
.Lfunc_end2:
_tile_overlayer_lowered:
.L_overlay_start_2:
0x3d: {  	(tag) =	ssettag $0x2  }
0x3e: {  	s0 =	rddreg [dreg:$0x0];
	s2 =	stileid.u32  }
0x3f: {  	s1 =	rddreg [dreg:$0x1];
	p0 =	sne.s32 s2, $0x0  }
0x40: {  	s3 =	rddreg [dreg:$0x2];
	[bflag:$0x3] =	sbarrier.arrive $0xFFFF;
	s2 =	simm.s32 @!p0 $0x1C01  }
0x41: {  	[timem:s3], [sflag:s2] =	dma.local @!p0 [hbm:s0], s1  }
0x42: {  	s0 =	simm.s32 @!p0 $0x1  }
0x43: {  	_ =	swait.ge @!p0 [sflag:s0], s1  }
0x44: {  	s1 =	ssub.s32 @!p0 $0x0, s1;
	[sflag:s0] =	ssyncset.done @!p0 $0x0  }
0x45: {  	[sflag:s0] =	ssyncadd.s32 @!p0 s1  }
0x46: {  	[bflag:$0x3] =	sbarrier.arrive $0xFFFF  }
0x47: {  	_ =	shalt  }

</sc_bundles>
